<compile_context>
chip_gen: v7x
topology: tpu7x:2x2x1
jax: 0.10.2.dev20260603
libtpu: 0.0.44.dev20260713+nightly
codegen_flags: <defaults>
</compile_context>

<pallas_src>
import functools

import jax
import jax.numpy as jnp
from jax import lax
from jax.experimental import pallas as pl
from jax.experimental.pallas import tpu as pltpu
from jax.experimental.pallas import tpu_sc as plsc

EMB = 64
K = 1024
L = 4
N = 32768
T = 1024
COMMIT = 0.25

_info = plsc.get_sparse_core_info()
_NW = _info.num_cores * _info.num_subcores
_BPW = N // _NW



def _argmin_math(r, cb):
    rn = jnp.sum(r * r, axis=1, keepdims=True)
    cn = jnp.sum(cb * cb, axis=1)[None, :]
    mm = jax.lax.dot_general(
        r, cb, (((1,), (1,)), ((), ())),
        preferred_element_type=jnp.float32)
    minv = rn + cn[:, :128] - 2.0 * mm[:, :128]
    mini = jnp.zeros((T, 128), dtype=jnp.int32)
    for s in range(1, K // 128):
        d_s = rn + cn[:, s * 128:(s + 1) * 128] - 2.0 * mm[:, s * 128:(s + 1) * 128]
        lt = d_s < minv
        mini = jnp.where(lt, s, mini)
        minv = jnp.where(lt, d_s, minv)
    lane128 = jax.lax.broadcasted_iota(jnp.int32, (T, 128), 1)
    kidx = mini * 128 + lane128
    m = jnp.min(minv, axis=1, keepdims=True)
    idx = jnp.min(jnp.where(minv == m, kidx, K), axis=1)
    return idx


def _argmin_first_block(r_ref, cb_ref, codes_ref):
    idx = _argmin_math(r_ref[...], cb_ref[...])
    codes_ref[...] = idx[None, :]


def _argmin_rest_block(r_ref, q_ref, cb_ref, rout_ref, codes_ref):
    r = r_ref[...] - q_ref[:, :EMB]
    rout_ref[...] = r
    idx = _argmin_math(r, cb_ref[...])
    codes_ref[...] = idx[None, :]


def _tc_argmin_first(r, cb):
    return pl.pallas_call(
        _argmin_first_block,
        grid=(N // T,),
        in_specs=[
            pl.BlockSpec((T, EMB), lambda i: (i, 0)),
            pl.BlockSpec((K, EMB), lambda i: (0, 0)),
        ],
        out_specs=pl.BlockSpec((1, T), lambda i: (0, i)),
        out_shape=jax.ShapeDtypeStruct((1, N), jnp.int32),
    )(r, cb)


def _tc_argmin_rest(r_prev, q_prev, cb):
    return pl.pallas_call(
        _argmin_rest_block,
        grid=(N // T,),
        in_specs=[
            pl.BlockSpec((T, EMB), lambda i: (i, 0)),
            pl.BlockSpec((T, 128), lambda i: (i, 0)),
            pl.BlockSpec((K, EMB), lambda i: (0, 0)),
        ],
        out_specs=[
            pl.BlockSpec((T, EMB), lambda i: (i, 0)),
            pl.BlockSpec((1, T), lambda i: (0, i)),
        ],
        out_shape=[
            jax.ShapeDtypeStruct((N, EMB), jnp.float32),
            jax.ShapeDtypeStruct((1, N), jnp.int32),
        ],
    )(r_prev, q_prev, cb)



_CH = _BPW // 2


def _sc_gather_body(table_hbm, idx_hbm, out_hbm, idx_v, rows_v, sem):
    wid = lax.axis_index("s") * _info.num_cores + lax.axis_index("c")
    base = wid * _BPW
    for h in range(_BPW // _CH):
        pltpu.sync_copy(idx_hbm.at[pl.ds(base + h * _CH, _CH)], idx_v)
        pltpu.async_copy(table_hbm.at[idx_v], rows_v, sem).wait()
        pltpu.sync_copy(rows_v, out_hbm.at[pl.ds(base + h * _CH, _CH)])


_sc_gather = functools.partial(
    pl.kernel,
    mesh=plsc.VectorSubcoreMesh(core_axis_name="c", subcore_axis_name="s"),
    out_type=jax.ShapeDtypeStruct((N, 128), jnp.float32),
    scratch_types=[
        pltpu.VMEM((_CH,), jnp.int32),
        pltpu.VMEM((_CH, 128), jnp.float32),
        pltpu.SemaphoreType.DMA,
    ],
)(_sc_gather_body)



def _combine_block(z_ref, q0_ref, q1_ref, q2_ref, q3_ref, qst_ref, loss_ref):
    step = pl.program_id(0)
    nsteps = pl.num_programs(0)
    z = z_ref[...]
    r = z
    qsum = jnp.zeros_like(z)
    part = jnp.zeros((1, 1), dtype=jnp.float32)
    for q_ref in (q0_ref, q1_ref, q2_ref, q3_ref):
        q = q_ref[:, :EMB]
        rq = r - q
        part = part + jnp.sum(rq * rq, axis=(0, 1), keepdims=True)
        qsum = qsum + q
        r = rq
    qst_ref[...] = z + (qsum - z)

    @pl.when(step == 0)
    def _init():
        loss_ref[...] = jnp.zeros_like(loss_ref)

    loss_ref[...] += jnp.broadcast_to(part, (8, 128))

    @pl.when(step == nsteps - 1)
    def _finish():
        loss_ref[...] = loss_ref[...] * (COMMIT / (N * EMB))


def _tc_combine(z, qs):
    return pl.pallas_call(
        _combine_block,
        grid=(N // T,),
        in_specs=([pl.BlockSpec((T, EMB), lambda i: (i, 0))]
                  + [pl.BlockSpec((T, 128), lambda i: (i, 0))] * 4),
        out_specs=[
            pl.BlockSpec((T, EMB), lambda i: (i, 0)),
            pl.BlockSpec((8, 128), lambda i: (0, 0)),
        ],
        out_shape=[
            jax.ShapeDtypeStruct((N, EMB), jnp.float32),
            jax.ShapeDtypeStruct((8, 128), jnp.float32),
        ],
    )(z, *qs)


@functools.partial(jax.jit, static_argnames=())
def kernel(inputs, codebooks):
    cbpad = jnp.pad(codebooks, ((0, 0), (0, 0), (0, 128 - EMB)))
    qs = []
    codes = []
    r = inputs
    q_prev = None
    for i in range(L):
        cb = codebooks[i]
        if i == 0:
            codes_i = _tc_argmin_first(r, cb)
        else:
            r, codes_i = _tc_argmin_rest(r, q_prev, cb)
        q_prev = _sc_gather(cbpad[i], codes_i.reshape(N))
        qs.append(q_prev)
        codes.append(codes_i)
    qst, loss = _tc_combine(inputs, qs)
    codes_tensor = jnp.concatenate(codes, axis=0).T
    return qst, loss[0, 0], codes_tensor

# --- scband reference (transcript-rebuilt; emitter-appended) ---
"""Pipeline reference for scband-residual-vector-quantizer-25288767439192 (READ-ONLY COPY).

The authoritative reference and input builder live on the scoring server;
editing this copy changes nothing except your own understanding.
"""

import jax, jax.numpy as jnp
import numpy as np

EMBEDDING_DIM = 64
CODEBOOK_SIZE = 1024
NUM_LAYERS = 4
COMMITMENT_COST = 0.25
N_TOKENS = 32768


def setup_inputs(seed: int = 0) -> dict:
    key = jax.random.key(seed)
    k1, k2 = jax.random.split(key)
    inputs = jax.random.normal(k1, (N_TOKENS, EMBEDDING_DIM), dtype=jnp.float32)
    bound = 1.0 / CODEBOOK_SIZE
    codebooks = jax.random.uniform(
        k2,
        (NUM_LAYERS, CODEBOOK_SIZE, EMBEDDING_DIM),
        minval=-bound,
        maxval=bound,
        dtype=jnp.float32,
    )
    return {"inputs": inputs, "codebooks": codebooks}


def reference(inputs, codebooks):
    # Eval-mode forward of ResidualVectorQuantizer (no EMA update).
    residual = inputs
    quantized_sum = jnp.zeros_like(inputs)
    total_vq_loss = jnp.zeros((), dtype=inputs.dtype)
    codes_per_layer = []
    for i in range(NUM_LAYERS):
        cb = codebooks[i]
        # ||r||^2 + ||c||^2 - 2 r c^T
        distances = (
            jnp.sum(residual ** 2, axis=1, keepdims=True)
            + jnp.sum(cb ** 2, axis=1)[None, :]
            - 2.0 * residual @ cb.T
        )
        codes = jnp.argmin(distances, axis=1)
        quantized = jnp.take(cb, codes, axis=0)
        total_vq_loss = total_vq_loss + COMMITMENT_COST * jnp.mean(
            (residual - jax.lax.stop_gradient(quantized)) ** 2
        )
        quantized_sum = quantized_sum + quantized
        residual = residual - quantized
        codes_per_layer.append(codes)
    codes_tensor = jnp.stack(codes_per_layer, axis=1)
    quantized_st = inputs + jax.lax.stop_gradient(quantized_sum - inputs)
    return quantized_st, total_vq_loss, codes_tensor

if __name__ == "__main__":
    import jax
    _d = setup_inputs()
    print(jax.jit(kernel)(*tuple(_d.values())))

</pallas_src>

<mosaic_0001>
#map = affine_map<(d0, d1) -> (0, 0)>
#map1 = affine_map<(d0, d1) -> (0)>
module attributes {stable_mosaic.version = 14 : i64} {
  func.func @_sc_gather_body(%arg0: i32, %arg1: i32, %arg2: memref<1024x128xf32, #tpu.memory_space<hbm>>, %arg3: memref<32768xi32, #tpu.memory_space<hbm>>, %arg4: memref<32768x128xf32, #tpu.memory_space<hbm>>, %arg5: memref<512xi32, #tpu.memory_space<vmem>>, %arg6: memref<512x128xf32, #tpu.memory_space<vmem>>, %arg7: memref<!tpu.dma_semaphore, #tpu.memory_space<semaphore_mem>>) attributes {dimension_semantics = [#tpu.dimension_semantics<core_parallel>, #tpu.dimension_semantics<subcore_parallel>], iteration_bounds = array<i64: 2, 16>, scalar_prefetch = 0 : i64, scratch_operands = 3 : i64, tpu.core_type = #tpu.core_type<sc_vector_subcore>, window_params = [{transform_indices = #map}, {transform_indices = #map1}, {transform_indices = #map}]} {
    %mul3A = arith.constant 2 : i32
    %mul3A_0 = arith.muli %arg1, %mul3A : i32
    %add3A = arith.addi %mul3A_0, %arg0 : i32
    %mul3A_1 = arith.constant 1024 : i32
    %mul3A_2 = arith.muli %add3A, %mul3A_1 : i32
    %add3A_3 = arith.constant 0 : i32
    %add3A_4 = arith.addi %mul3A_2, %add3A_3 : i32
    "tpu.region"() ({
      %run_scoped3A = tpu.sem_alloc : memref<!tpu.dma_semaphore, #tpu.memory_space<semaphore_mem>>
      %dma_start3A_21 = tpu.memref_slice %arg3[%add3A_4] : memref<32768xi32, #tpu.memory_space<hbm>> -> memref<512xi32, #tpu.memory_space<hbm>>
      %dma_start3A_22 = tpu.memref_slice %arg3[%add3A_4] : memref<32768xi32, #tpu.memory_space<hbm>> -> memref<512xi32, #tpu.memory_space<hbm>>
      tpu.enqueue_dma source(%dma_start3A_22 : memref<512xi32, #tpu.memory_space<hbm>>) target(%arg5 : memref<512xi32, #tpu.memory_space<vmem>>) target_semaphore(%run_scoped3A : memref<!tpu.dma_semaphore, #tpu.memory_space<semaphore_mem>>)
      %dma_wait3A_23 = tpu.memref_slice %arg3[%add3A_4] : memref<32768xi32, #tpu.memory_space<hbm>> -> memref<512xi32, #tpu.memory_space<hbm>>
      %dma_wait3A_24 = tpu.memref_slice %arg3[%add3A_4] : memref<32768xi32, #tpu.memory_space<hbm>> -> memref<512xi32, #tpu.memory_space<hbm>>
      tpu.wait_dma2 semaphore(%run_scoped3A : memref<!tpu.dma_semaphore, #tpu.memory_space<semaphore_mem>>) src(%dma_wait3A_24 : memref<512xi32, #tpu.memory_space<hbm>>) dst(%arg5 : memref<512xi32, #tpu.memory_space<vmem>>)
      tpu.yield
    }) : () -> ()
    %dma_start3A = arith.constant 0 : i32
    %dma_start3A_5 = arith.constant 0 : i32
    %dma_start3A_6 = tpu.memref_slice %arg2[%dma_start3A, %dma_start3A_5] : memref<1024x128xf32, #tpu.memory_space<hbm>> -> memref<1024x128xf32, #tpu.memory_space<hbm>>
    tpu.enqueue_indirect_dma source(%dma_start3A_6 : memref<1024x128xf32, #tpu.memory_space<hbm>>) target(%arg6 : memref<512x128xf32, #tpu.memory_space<vmem>>) offsets(%arg5 : memref<512xi32, #tpu.memory_space<vmem>>) semaphore(%arg7 : memref<!tpu.dma_semaphore, #tpu.memory_space<semaphore_mem>>)
    %dma_wait3A = arith.constant 0 : i32
    %dma_wait3A_7 = arith.constant 0 : i32
    %dma_wait3A_8 = tpu.memref_slice %arg2[%dma_wait3A, %dma_wait3A_7] : memref<1024x128xf32, #tpu.memory_space<hbm>> -> memref<1024x128xf32, #tpu.memory_space<hbm>>
    tpu.wait_indirect_dma semaphore(%arg7 : memref<!tpu.dma_semaphore, #tpu.memory_space<semaphore_mem>>) src(%dma_wait3A_8 : memref<1024x128xf32, #tpu.memory_space<hbm>>) dst(%arg6 : memref<512x128xf32, #tpu.memory_space<vmem>>)
    %add3A_9 = arith.constant 0 : i32
    %add3A_10 = arith.addi %mul3A_2, %add3A_9 : i32
    "tpu.region"() ({
      %run_scoped3A = tpu.sem_alloc : memref<!tpu.dma_semaphore, #tpu.memory_space<semaphore_mem>>
      %dma_start3A_21 = arith.constant 0 : i32
      %dma_start3A_22 = tpu.memref_slice %arg4[%add3A_10, %dma_start3A_21] : memref<32768x128xf32, #tpu.memory_space<hbm>> -> memref<512x128xf32, #tpu.memory_space<hbm>>
      %dma_start3A_23 = arith.constant 0 : i32
      %dma_start3A_24 = tpu.memref_slice %arg4[%add3A_10, %dma_start3A_23] : memref<32768x128xf32, #tpu.memory_space<hbm>> -> memref<512x128xf32, #tpu.memory_space<hbm>>
      tpu.enqueue_dma source(%arg6 : memref<512x128xf32, #tpu.memory_space<vmem>>) target(%dma_start3A_24 : memref<512x128xf32, #tpu.memory_space<hbm>>) target_semaphore(%run_scoped3A : memref<!tpu.dma_semaphore, #tpu.memory_space<semaphore_mem>>)
      %dma_wait3A_25 = arith.constant 0 : i32
      %dma_wait3A_26 = tpu.memref_slice %arg4[%add3A_10, %dma_wait3A_25] : memref<32768x128xf32, #tpu.memory_space<hbm>> -> memref<512x128xf32, #tpu.memory_space<hbm>>
      %dma_wait3A_27 = arith.constant 0 : i32
      %dma_wait3A_28 = tpu.memref_slice %arg4[%add3A_10, %dma_wait3A_27] : memref<32768x128xf32, #tpu.memory_space<hbm>> -> memref<512x128xf32, #tpu.memory_space<hbm>>
      tpu.wait_dma2 semaphore(%run_scoped3A : memref<!tpu.dma_semaphore, #tpu.memory_space<semaphore_mem>>) src(%arg6 : memref<512x128xf32, #tpu.memory_space<vmem>>) dst(%dma_wait3A_28 : memref<512x128xf32, #tpu.memory_space<hbm>>)
      tpu.yield
    }) : () -> ()
    %add3A_11 = arith.constant 512 : i32
    %add3A_12 = arith.addi %mul3A_2, %add3A_11 : i32
    "tpu.region"() ({
      %run_scoped3A = tpu.sem_alloc : memref<!tpu.dma_semaphore, #tpu.memory_space<semaphore_mem>>
      %dma_start3A_21 = tpu.memref_slice %arg3[%add3A_12] : memref<32768xi32, #tpu.memory_space<hbm>> -> memref<512xi32, #tpu.memory_space<hbm>>
      %dma_start3A_22 = tpu.memref_slice %arg3[%add3A_12] : memref<32768xi32, #tpu.memory_space<hbm>> -> memref<512xi32, #tpu.memory_space<hbm>>
      tpu.enqueue_dma source(%dma_start3A_22 : memref<512xi32, #tpu.memory_space<hbm>>) target(%arg5 : memref<512xi32, #tpu.memory_space<vmem>>) target_semaphore(%run_scoped3A : memref<!tpu.dma_semaphore, #tpu.memory_space<semaphore_mem>>)
      %dma_wait3A_23 = tpu.memref_slice %arg3[%add3A_12] : memref<32768xi32, #tpu.memory_space<hbm>> -> memref<512xi32, #tpu.memory_space<hbm>>
      %dma_wait3A_24 = tpu.memref_slice %arg3[%add3A_12] : memref<32768xi32, #tpu.memory_space<hbm>> -> memref<512xi32, #tpu.memory_space<hbm>>
      tpu.wait_dma2 semaphore(%run_scoped3A : memref<!tpu.dma_semaphore, #tpu.memory_space<semaphore_mem>>) src(%dma_wait3A_24 : memref<512xi32, #tpu.memory_space<hbm>>) dst(%arg5 : memref<512xi32, #tpu.memory_space<vmem>>)
      tpu.yield
    }) : () -> ()
    %dma_start3A_13 = arith.constant 0 : i32
    %dma_start3A_14 = arith.constant 0 : i32
    %dma_start3A_15 = tpu.memref_slice %arg2[%dma_start3A_13, %dma_start3A_14] : memref<1024x128xf32, #tpu.memory_space<hbm>> -> memref<1024x128xf32, #tpu.memory_space<hbm>>
    tpu.enqueue_indirect_dma source(%dma_start3A_15 : memref<1024x128xf32, #tpu.memory_space<hbm>>) target(%arg6 : memref<512x128xf32, #tpu.memory_space<vmem>>) offsets(%arg5 : memref<512xi32, #tpu.memory_space<vmem>>) semaphore(%arg7 : memref<!tpu.dma_semaphore, #tpu.memory_space<semaphore_mem>>)
    %dma_wait3A_16 = arith.constant 0 : i32
    %dma_wait3A_17 = arith.constant 0 : i32
    %dma_wait3A_18 = tpu.memref_slice %arg2[%dma_wait3A_16, %dma_wait3A_17] : memref<1024x128xf32, #tpu.memory_space<hbm>> -> memref<1024x128xf32, #tpu.memory_space<hbm>>
    tpu.wait_indirect_dma semaphore(%arg7 : memref<!tpu.dma_semaphore, #tpu.memory_space<semaphore_mem>>) src(%dma_wait3A_18 : memref<1024x128xf32, #tpu.memory_space<hbm>>) dst(%arg6 : memref<512x128xf32, #tpu.memory_space<vmem>>)
    %add3A_19 = arith.constant 512 : i32
    %add3A_20 = arith.addi %mul3A_2, %add3A_19 : i32
    "tpu.region"() ({
      %run_scoped3A = tpu.sem_alloc : memref<!tpu.dma_semaphore, #tpu.memory_space<semaphore_mem>>
      %dma_start3A_21 = arith.constant 0 : i32
      %dma_start3A_22 = tpu.memref_slice %arg4[%add3A_20, %dma_start3A_21] : memref<32768x128xf32, #tpu.memory_space<hbm>> -> memref<512x128xf32, #tpu.memory_space<hbm>>
      %dma_start3A_23 = arith.constant 0 : i32
      %dma_start3A_24 = tpu.memref_slice %arg4[%add3A_20, %dma_start3A_23] : memref<32768x128xf32, #tpu.memory_space<hbm>> -> memref<512x128xf32, #tpu.memory_space<hbm>>
      tpu.enqueue_dma source(%arg6 : memref<512x128xf32, #tpu.memory_space<vmem>>) target(%dma_start3A_24 : memref<512x128xf32, #tpu.memory_space<hbm>>) target_semaphore(%run_scoped3A : memref<!tpu.dma_semaphore, #tpu.memory_space<semaphore_mem>>)
      %dma_wait3A_25 = arith.constant 0 : i32
      %dma_wait3A_26 = tpu.memref_slice %arg4[%add3A_20, %dma_wait3A_25] : memref<32768x128xf32, #tpu.memory_space<hbm>> -> memref<512x128xf32, #tpu.memory_space<hbm>>
      %dma_wait3A_27 = arith.constant 0 : i32
      %dma_wait3A_28 = tpu.memref_slice %arg4[%add3A_20, %dma_wait3A_27] : memref<32768x128xf32, #tpu.memory_space<hbm>> -> memref<512x128xf32, #tpu.memory_space<hbm>>
      tpu.wait_dma2 semaphore(%run_scoped3A : memref<!tpu.dma_semaphore, #tpu.memory_space<semaphore_mem>>) src(%arg6 : memref<512x128xf32, #tpu.memory_space<vmem>>) dst(%dma_wait3A_28 : memref<512x128xf32, #tpu.memory_space<hbm>>)
      tpu.yield
    }) : () -> ()
    return
  }
}

#map = affine_map<(d0, d1) -> (0, 0)>
#map1 = affine_map<(d0, d1) -> (0)>
module attributes {stable_mosaic.version = 14 : i64} {
  func.func @_sc_gather_body(%arg0: i32, %arg1: i32, %arg2: memref<1024x128xf32, #tpu.memory_space<hbm>>, %arg3: memref<32768xi32, #tpu.memory_space<hbm>>, %arg4: memref<32768x128xf32, #tpu.memory_space<hbm>>, %arg5: memref<512xi32, #tpu.memory_space<vmem>>, %arg6: memref<512x128xf32, #tpu.memory_space<vmem>>, %arg7: memref<!tpu.dma_semaphore, #tpu.memory_space<semaphore_mem>>) attributes {dimension_semantics = [#tpu.dimension_semantics<core_parallel>, #tpu.dimension_semantics<subcore_parallel>], iteration_bounds = array<i64: 2, 16>, scalar_prefetch = 0 : i64, scratch_operands = 3 : i64, tpu.core_type = #tpu.core_type<sc_vector_subcore>, window_params = [{transform_indices = #map}, {transform_indices = #map1}, {transform_indices = #map}]} {
    %mul3A = arith.constant 2 : i32
    %mul3A_0 = arith.muli %arg1, %mul3A : i32
    %add3A = arith.addi %mul3A_0, %arg0 : i32
    %mul3A_1 = arith.constant 1024 : i32
    %mul3A_2 = arith.muli %add3A, %mul3A_1 : i32
    %add3A_3 = arith.constant 0 : i32
    %add3A_4 = arith.addi %mul3A_2, %add3A_3 : i32
    "tpu.region"() ({
      %run_scoped3A = tpu.sem_alloc : memref<!tpu.dma_semaphore, #tpu.memory_space<semaphore_mem>>
      %dma_start3A_21 = tpu.memref_slice %arg3[%add3A_4] : memref<32768xi32, #tpu.memory_space<hbm>> -> memref<512xi32, #tpu.memory_space<hbm>>
      %dma_start3A_22 = tpu.memref_slice %arg3[%add3A_4] : memref<32768xi32, #tpu.memory_space<hbm>> -> memref<512xi32, #tpu.memory_space<hbm>>
      tpu.enqueue_dma source(%dma_start3A_22 : memref<512xi32, #tpu.memory_space<hbm>>) target(%arg5 : memref<512xi32, #tpu.memory_space<vmem>>) target_semaphore(%run_scoped3A : memref<!tpu.dma_semaphore, #tpu.memory_space<semaphore_mem>>)
      %dma_wait3A_23 = tpu.memref_slice %arg3[%add3A_4] : memref<32768xi32, #tpu.memory_space<hbm>> -> memref<512xi32, #tpu.memory_space<hbm>>
      %dma_wait3A_24 = tpu.memref_slice %arg3[%add3A_4] : memref<32768xi32, #tpu.memory_space<hbm>> -> memref<512xi32, #tpu.memory_space<hbm>>
      tpu.wait_dma2 semaphore(%run_scoped3A : memref<!tpu.dma_semaphore, #tpu.memory_space<semaphore_mem>>) src(%dma_wait3A_24 : memref<512xi32, #tpu.memory_space<hbm>>) dst(%arg5 : memref<512xi32, #tpu.memory_space<vmem>>)
      tpu.yield
    }) : () -> ()
    %dma_start3A = arith.constant 0 : i32
    %dma_start3A_5 = arith.constant 0 : i32
    %dma_start3A_6 = tpu.memref_slice %arg2[%dma_start3A, %dma_start3A_5] : memref<1024x128xf32, #tpu.memory_space<hbm>> -> memref<1024x128xf32, #tpu.memory_space<hbm>>
    tpu.enqueue_indirect_dma source(%dma_start3A_6 : memref<1024x128xf32, #tpu.memory_space<hbm>>) target(%arg6 : memref<512x128xf32, #tpu.memory_space<vmem>>) offsets(%arg5 : memref<512xi32, #tpu.memory_space<vmem>>) semaphore(%arg7 : memref<!tpu.dma_semaphore, #tpu.memory_space<semaphore_mem>>)
    %dma_wait3A = arith.constant 0 : i32
    %dma_wait3A_7 = arith.constant 0 : i32
    %dma_wait3A_8 = tpu.memref_slice %arg2[%dma_wait3A, %dma_wait3A_7] : memref<1024x128xf32, #tpu.memory_space<hbm>> -> memref<1024x128xf32, #tpu.memory_space<hbm>>
    tpu.wait_indirect_dma semaphore(%arg7 : memref<!tpu.dma_semaphore, #tpu.memory_space<semaphore_mem>>) src(%dma_wait3A_8 : memref<1024x128xf32, #tpu.memory_space<hbm>>) dst(%arg6 : memref<512x128xf32, #tpu.memory_space<vmem>>)
    %add3A_9 = arith.constant 0 : i32
    %add3A_10 = arith.addi %mul3A_2, %add3A_9 : i32
    "tpu.region"() ({
      %run_scoped3A = tpu.sem_alloc : memref<!tpu.dma_semaphore, #tpu.memory_space<semaphore_mem>>
      %dma_start3A_21 = arith.constant 0 : i32
      %dma_start3A_22 = tpu.memref_slice %arg4[%add3A_10, %dma_start3A_21] : memref<32768x128xf32, #tpu.memory_space<hbm>> -> memref<512x128xf32, #tpu.memory_space<hbm>>
      %dma_start3A_23 = arith.constant 0 : i32
      %dma_start3A_24 = tpu.memref_slice %arg4[%add3A_10, %dma_start3A_23] : memref<32768x128xf32, #tpu.memory_space<hbm>> -> memref<512x128xf32, #tpu.memory_space<hbm>>
      tpu.enqueue_dma source(%arg6 : memref<512x128xf32, #tpu.memory_space<vmem>>) target(%dma_start3A_24 : memref<512x128xf32, #tpu.memory_space<hbm>>) target_semaphore(%run_scoped3A : memref<!tpu.dma_semaphore, #tpu.memory_space<semaphore_mem>>)
      %dma_wait3A_25 = arith.constant 0 : i32
      %dma_wait3A_26 = tpu.memref_slice %arg4[%add3A_10, %dma_wait3A_25] : memref<32768x128xf32, #tpu.memory_space<hbm>> -> memref<512x128xf32, #tpu.memory_space<hbm>>
      %dma_wait3A_27 = arith.constant 0 : i32
      %dma_wait3A_28 = tpu.memref_slice %arg4[%add3A_10, %dma_wait3A_27] : memref<32768x128xf32, #tpu.memory_space<hbm>> -> memref<512x128xf32, #tpu.memory_space<hbm>>
      tpu.wait_dma2 semaphore(%run_scoped3A : memref<!tpu.dma_semaphore, #tpu.memory_space<semaphore_mem>>) src(%arg6 : memref<512x128xf32, #tpu.memory_space<vmem>>) dst(%dma_wait3A_28 : memref<512x128xf32, #tpu.memory_space<hbm>>)
      tpu.yield
    }) : () -> ()
    %add3A_11 = arith.constant 512 : i32
    %add3A_12 = arith.addi %mul3A_2, %add3A_11 : i32
    "tpu.region"() ({
      %run_scoped3A = tpu.sem_alloc : memref<!tpu.dma_semaphore, #tpu.memory_space<semaphore_mem>>
      %dma_start3A_21 = tpu.memref_slice %arg3[%add3A_12] : memref<32768xi32, #tpu.memory_space<hbm>> -> memref<512xi32, #tpu.memory_space<hbm>>
      %dma_start3A_22 = tpu.memref_slice %arg3[%add3A_12] : memref<32768xi32, #tpu.memory_space<hbm>> -> memref<512xi32, #tpu.memory_space<hbm>>
      tpu.enqueue_dma source(%dma_start3A_22 : memref<512xi32, #tpu.memory_space<hbm>>) target(%arg5 : memref<512xi32, #tpu.memory_space<vmem>>) target_semaphore(%run_scoped3A : memref<!tpu.dma_semaphore, #tpu.memory_space<semaphore_mem>>)
      %dma_wait3A_23 = tpu.memref_slice %arg3[%add3A_12] : memref<32768xi32, #tpu.memory_space<hbm>> -> memref<512xi32, #tpu.memory_space<hbm>>
      %dma_wait3A_24 = tpu.memref_slice %arg3[%add3A_12] : memref<32768xi32, #tpu.memory_space<hbm>> -> memref<512xi32, #tpu.memory_space<hbm>>
      tpu.wait_dma2 semaphore(%run_scoped3A : memref<!tpu.dma_semaphore, #tpu.memory_space<semaphore_mem>>) src(%dma_wait3A_24 : memref<512xi32, #tpu.memory_space<hbm>>) dst(%arg5 : memref<512xi32, #tpu.memory_space<vmem>>)
      tpu.yield
    }) : () -> ()
    %dma_start3A_13 = arith.constant 0 : i32
    %dma_start3A_14 = arith.constant 0 : i32
    %dma_start3A_15 = tpu.memref_slice %arg2[%dma_start3A_13, %dma_start3A_14] : memref<1024x128xf32, #tpu.memory_space<hbm>> -> memref<1024x128xf32, #tpu.memory_space<hbm>>
    tpu.enqueue_indirect_dma source(%dma_start3A_15 : memref<1024x128xf32, #tpu.memory_space<hbm>>) target(%arg6 : memref<512x128xf32, #tpu.memory_space<vmem>>) offsets(%arg5 : memref<512xi32, #tpu.memory_space<vmem>>) semaphore(%arg7 : memref<!tpu.dma_semaphore, #tpu.memory_space<semaphore_mem>>)
    %dma_wait3A_16 = arith.constant 0 : i32
    %dma_wait3A_17 = arith.constant 0 : i32
    %dma_wait3A_18 = tpu.memref_slice %arg2[%dma_wait3A_16, %dma_wait3A_17] : memref<1024x128xf32, #tpu.memory_space<hbm>> -> memref<1024x128xf32, #tpu.memory_space<hbm>>
    tpu.wait_indirect_dma semaphore(%arg7 : memref<!tpu.dma_semaphore, #tpu.memory_space<semaphore_mem>>) src(%dma_wait3A_18 : memref<1024x128xf32, #tpu.memory_space<hbm>>) dst(%arg6 : memref<512x128xf32, #tpu.memory_space<vmem>>)
    %add3A_19 = arith.constant 512 : i32
    %add3A_20 = arith.addi %mul3A_2, %add3A_19 : i32
    "tpu.region"() ({
      %run_scoped3A = tpu.sem_alloc : memref<!tpu.dma_semaphore, #tpu.memory_space<semaphore_mem>>
      %dma_start3A_21 = arith.constant 0 : i32
      %dma_start3A_22 = tpu.memref_slice %arg4[%add3A_20, %dma_start3A_21] : memref<32768x128xf32, #tpu.memory_space<hbm>> -> memref<512x128xf32, #tpu.memory_space<hbm>>
      %dma_start3A_23 = arith.constant 0 : i32
      %dma_start3A_24 = tpu.memref_slice %arg4[%add3A_20, %dma_start3A_23] : memref<32768x128xf32, #tpu.memory_space<hbm>> -> memref<512x128xf32, #tpu.memory_space<hbm>>
      tpu.enqueue_dma source(%arg6 : memref<512x128xf32, #tpu.memory_space<vmem>>) target(%dma_start3A_24 : memref<512x128xf32, #tpu.memory_space<hbm>>) target_semaphore(%run_scoped3A : memref<!tpu.dma_semaphore, #tpu.memory_space<semaphore_mem>>)
      %dma_wait3A_25 = arith.constant 0 : i32
      %dma_wait3A_26 = tpu.memref_slice %arg4[%add3A_20, %dma_wait3A_25] : memref<32768x128xf32, #tpu.memory_space<hbm>> -> memref<512x128xf32, #tpu.memory_space<hbm>>
      %dma_wait3A_27 = arith.constant 0 : i32
      %dma_wait3A_28 = tpu.memref_slice %arg4[%add3A_20, %dma_wait3A_27] : memref<32768x128xf32, #tpu.memory_space<hbm>> -> memref<512x128xf32, #tpu.memory_space<hbm>>
      tpu.wait_dma2 semaphore(%run_scoped3A : memref<!tpu.dma_semaphore, #tpu.memory_space<semaphore_mem>>) src(%arg6 : memref<512x128xf32, #tpu.memory_space<vmem>>) dst(%dma_wait3A_28 : memref<512x128xf32, #tpu.memory_space<hbm>>)
      tpu.yield
    }) : () -> ()
    return
  }
}

#map = affine_map<(d0, d1) -> (0, 0)>
#map1 = affine_map<(d0, d1) -> (0)>
module attributes {stable_mosaic.version = 14 : i64} {
  func.func @_sc_gather_body(%arg0: i32, %arg1: i32, %arg2: memref<1024x128xf32, #tpu.memory_space<hbm>>, %arg3: memref<32768xi32, #tpu.memory_space<hbm>>, %arg4: memref<32768x128xf32, #tpu.memory_space<hbm>>, %arg5: memref<512xi32, #tpu.memory_space<vmem>>, %arg6: memref<512x128xf32, #tpu.memory_space<vmem>>, %arg7: memref<!tpu.dma_semaphore, #tpu.memory_space<semaphore_mem>>) attributes {dimension_semantics = [#tpu.dimension_semantics<core_parallel>, #tpu.dimension_semantics<subcore_parallel>], iteration_bounds = array<i64: 2, 16>, scalar_prefetch = 0 : i64, scratch_operands = 3 : i64, tpu.core_type = #tpu.core_type<sc_vector_subcore>, window_params = [{transform_indices = #map}, {transform_indices = #map1}, {transform_indices = #map}]} {
    %mul3A = arith.constant 2 : i32
    %mul3A_0 = arith.muli %arg1, %mul3A : i32
    %add3A = arith.addi %mul3A_0, %arg0 : i32
    %mul3A_1 = arith.constant 1024 : i32
    %mul3A_2 = arith.muli %add3A, %mul3A_1 : i32
    %add3A_3 = arith.constant 0 : i32
    %add3A_4 = arith.addi %mul3A_2, %add3A_3 : i32
    "tpu.region"() ({
      %run_scoped3A = tpu.sem_alloc : memref<!tpu.dma_semaphore, #tpu.memory_space<semaphore_mem>>
      %dma_start3A_21 = tpu.memref_slice %arg3[%add3A_4] : memref<32768xi32, #tpu.memory_space<hbm>> -> memref<512xi32, #tpu.memory_space<hbm>>
      %dma_start3A_22 = tpu.memref_slice %arg3[%add3A_4] : memref<32768xi32, #tpu.memory_space<hbm>> -> memref<512xi32, #tpu.memory_space<hbm>>
      tpu.enqueue_dma source(%dma_start3A_22 : memref<512xi32, #tpu.memory_space<hbm>>) target(%arg5 : memref<512xi32, #tpu.memory_space<vmem>>) target_semaphore(%run_scoped3A : memref<!tpu.dma_semaphore, #tpu.memory_space<semaphore_mem>>)
      %dma_wait3A_23 = tpu.memref_slice %arg3[%add3A_4] : memref<32768xi32, #tpu.memory_space<hbm>> -> memref<512xi32, #tpu.memory_space<hbm>>
      %dma_wait3A_24 = tpu.memref_slice %arg3[%add3A_4] : memref<32768xi32, #tpu.memory_space<hbm>> -> memref<512xi32, #tpu.memory_space<hbm>>
      tpu.wait_dma2 semaphore(%run_scoped3A : memref<!tpu.dma_semaphore, #tpu.memory_space<semaphore_mem>>) src(%dma_wait3A_24 : memref<512xi32, #tpu.memory_space<hbm>>) dst(%arg5 : memref<512xi32, #tpu.memory_space<vmem>>)
      tpu.yield
    }) : () -> ()
    %dma_start3A = arith.constant 0 : i32
    %dma_start3A_5 = arith.constant 0 : i32
    %dma_start3A_6 = tpu.memref_slice %arg2[%dma_start3A, %dma_start3A_5] : memref<1024x128xf32, #tpu.memory_space<hbm>> -> memref<1024x128xf32, #tpu.memory_space<hbm>>
    tpu.enqueue_indirect_dma source(%dma_start3A_6 : memref<1024x128xf32, #tpu.memory_space<hbm>>) target(%arg6 : memref<512x128xf32, #tpu.memory_space<vmem>>) offsets(%arg5 : memref<512xi32, #tpu.memory_space<vmem>>) semaphore(%arg7 : memref<!tpu.dma_semaphore, #tpu.memory_space<semaphore_mem>>)
    %dma_wait3A = arith.constant 0 : i32
    %dma_wait3A_7 = arith.constant 0 : i32
    %dma_wait3A_8 = tpu.memref_slice %arg2[%dma_wait3A, %dma_wait3A_7] : memref<1024x128xf32, #tpu.memory_space<hbm>> -> memref<1024x128xf32, #tpu.memory_space<hbm>>
    tpu.wait_indirect_dma semaphore(%arg7 : memref<!tpu.dma_semaphore, #tpu.memory_space<semaphore_mem>>) src(%dma_wait3A_8 : memref<1024x128xf32, #tpu.memory_space<hbm>>) dst(%arg6 : memref<512x128xf32, #tpu.memory_space<vmem>>)
    %add3A_9 = arith.constant 0 : i32
    %add3A_10 = arith.addi %mul3A_2, %add3A_9 : i32
    "tpu.region"() ({
      %run_scoped3A = tpu.sem_alloc : memref<!tpu.dma_semaphore, #tpu.memory_space<semaphore_mem>>
      %dma_start3A_21 = arith.constant 0 : i32
      %dma_start3A_22 = tpu.memref_slice %arg4[%add3A_10, %dma_start3A_21] : memref<32768x128xf32, #tpu.memory_space<hbm>> -> memref<512x128xf32, #tpu.memory_space<hbm>>
      %dma_start3A_23 = arith.constant 0 : i32
      %dma_start3A_24 = tpu.memref_slice %arg4[%add3A_10, %dma_start3A_23] : memref<32768x128xf32, #tpu.memory_space<hbm>> -> memref<512x128xf32, #tpu.memory_space<hbm>>
      tpu.enqueue_dma source(%arg6 : memref<512x128xf32, #tpu.memory_space<vmem>>) target(%dma_start3A_24 : memref<512x128xf32, #tpu.memory_space<hbm>>) target_semaphore(%run_scoped3A : memref<!tpu.dma_semaphore, #tpu.memory_space<semaphore_mem>>)
      %dma_wait3A_25 = arith.constant 0 : i32
      %dma_wait3A_26 = tpu.memref_slice %arg4[%add3A_10, %dma_wait3A_25] : memref<32768x128xf32, #tpu.memory_space<hbm>> -> memref<512x128xf32, #tpu.memory_space<hbm>>
      %dma_wait3A_27 = arith.constant 0 : i32
      %dma_wait3A_28 = tpu.memref_slice %arg4[%add3A_10, %dma_wait3A_27] : memref<32768x128xf32, #tpu.memory_space<hbm>> -> memref<512x128xf32, #tpu.memory_space<hbm>>
      tpu.wait_dma2 semaphore(%run_scoped3A : memref<!tpu.dma_semaphore, #tpu.memory_space<semaphore_mem>>) src(%arg6 : memref<512x128xf32, #tpu.memory_space<vmem>>) dst(%dma_wait3A_28 : memref<512x128xf32, #tpu.memory_space<hbm>>)
      tpu.yield
    }) : () -> ()
    %add3A_11 = arith.constant 512 : i32
    %add3A_12 = arith.addi %mul3A_2, %add3A_11 : i32
    "tpu.region"() ({
      %run_scoped3A = tpu.sem_alloc : memref<!tpu.dma_semaphore, #tpu.memory_space<semaphore_mem>>
      %dma_start3A_21 = tpu.memref_slice %arg3[%add3A_12] : memref<32768xi32, #tpu.memory_space<hbm>> -> memref<512xi32, #tpu.memory_space<hbm>>
      %dma_start3A_22 = tpu.memref_slice %arg3[%add3A_12] : memref<32768xi32, #tpu.memory_space<hbm>> -> memref<512xi32, #tpu.memory_space<hbm>>
      tpu.enqueue_dma source(%dma_start3A_22 : memref<512xi32, #tpu.memory_space<hbm>>) target(%arg5 : memref<512xi32, #tpu.memory_space<vmem>>) target_semaphore(%run_scoped3A : memref<!tpu.dma_semaphore, #tpu.memory_space<semaphore_mem>>)
      %dma_wait3A_23 = tpu.memref_slice %arg3[%add3A_12] : memref<32768xi32, #tpu.memory_space<hbm>> -> memref<512xi32, #tpu.memory_space<hbm>>
      %dma_wait3A_24 = tpu.memref_slice %arg3[%add3A_12] : memref<32768xi32, #tpu.memory_space<hbm>> -> memref<512xi32, #tpu.memory_space<hbm>>
      tpu.wait_dma2 semaphore(%run_scoped3A : memref<!tpu.dma_semaphore, #tpu.memory_space<semaphore_mem>>) src(%dma_wait3A_24 : memref<512xi32, #tpu.memory_space<hbm>>) dst(%arg5 : memref<512xi32, #tpu.memory_space<vmem>>)
      tpu.yield
    }) : () -> ()
    %dma_start3A_13 = arith.constant 0 : i32
    %dma_start3A_14 = arith.constant 0 : i32
    %dma_start3A_15 = tpu.memref_slice %arg2[%dma_start3A_13, %dma_start3A_14] : memref<1024x128xf32, #tpu.memory_space<hbm>> -> memref<1024x128xf32, #tpu.memory_space<hbm>>
    tpu.enqueue_indirect_dma source(%dma_start3A_15 : memref<1024x128xf32, #tpu.memory_space<hbm>>) target(%arg6 : memref<512x128xf32, #tpu.memory_space<vmem>>) offsets(%arg5 : memref<512xi32, #tpu.memory_space<vmem>>) semaphore(%arg7 : memref<!tpu.dma_semaphore, #tpu.memory_space<semaphore_mem>>)
    %dma_wait3A_16 = arith.constant 0 : i32
    %dma_wait3A_17 = arith.constant 0 : i32
    %dma_wait3A_18 = tpu.memref_slice %arg2[%dma_wait3A_16, %dma_wait3A_17] : memref<1024x128xf32, #tpu.memory_space<hbm>> -> memref<1024x128xf32, #tpu.memory_space<hbm>>
    tpu.wait_indirect_dma semaphore(%arg7 : memref<!tpu.dma_semaphore, #tpu.memory_space<semaphore_mem>>) src(%dma_wait3A_18 : memref<1024x128xf32, #tpu.memory_space<hbm>>) dst(%arg6 : memref<512x128xf32, #tpu.memory_space<vmem>>)
    %add3A_19 = arith.constant 512 : i32
    %add3A_20 = arith.addi %mul3A_2, %add3A_19 : i32
    "tpu.region"() ({
      %run_scoped3A = tpu.sem_alloc : memref<!tpu.dma_semaphore, #tpu.memory_space<semaphore_mem>>
      %dma_start3A_21 = arith.constant 0 : i32
      %dma_start3A_22 = tpu.memref_slice %arg4[%add3A_20, %dma_start3A_21] : memref<32768x128xf32, #tpu.memory_space<hbm>> -> memref<512x128xf32, #tpu.memory_space<hbm>>
      %dma_start3A_23 = arith.constant 0 : i32
      %dma_start3A_24 = tpu.memref_slice %arg4[%add3A_20, %dma_start3A_23] : memref<32768x128xf32, #tpu.memory_space<hbm>> -> memref<512x128xf32, #tpu.memory_space<hbm>>
      tpu.enqueue_dma source(%arg6 : memref<512x128xf32, #tpu.memory_space<vmem>>) target(%dma_start3A_24 : memref<512x128xf32, #tpu.memory_space<hbm>>) target_semaphore(%run_scoped3A : memref<!tpu.dma_semaphore, #tpu.memory_space<semaphore_mem>>)
      %dma_wait3A_25 = arith.constant 0 : i32
      %dma_wait3A_26 = tpu.memref_slice %arg4[%add3A_20, %dma_wait3A_25] : memref<32768x128xf32, #tpu.memory_space<hbm>> -> memref<512x128xf32, #tpu.memory_space<hbm>>
      %dma_wait3A_27 = arith.constant 0 : i32
      %dma_wait3A_28 = tpu.memref_slice %arg4[%add3A_20, %dma_wait3A_27] : memref<32768x128xf32, #tpu.memory_space<hbm>> -> memref<512x128xf32, #tpu.memory_space<hbm>>
      tpu.wait_dma2 semaphore(%run_scoped3A : memref<!tpu.dma_semaphore, #tpu.memory_space<semaphore_mem>>) src(%arg6 : memref<512x128xf32, #tpu.memory_space<vmem>>) dst(%dma_wait3A_28 : memref<512x128xf32, #tpu.memory_space<hbm>>)
      tpu.yield
    }) : () -> ()
    return
  }
}

#map = affine_map<(d0, d1) -> (0, 0)>
#map1 = affine_map<(d0, d1) -> (0)>
module attributes {stable_mosaic.version = 14 : i64} {
  func.func @_sc_gather_body(%arg0: i32, %arg1: i32, %arg2: memref<1024x128xf32, #tpu.memory_space<hbm>>, %arg3: memref<32768xi32, #tpu.memory_space<hbm>>, %arg4: memref<32768x128xf32, #tpu.memory_space<hbm>>, %arg5: memref<512xi32, #tpu.memory_space<vmem>>, %arg6: memref<512x128xf32, #tpu.memory_space<vmem>>, %arg7: memref<!tpu.dma_semaphore, #tpu.memory_space<semaphore_mem>>) attributes {dimension_semantics = [#tpu.dimension_semantics<core_parallel>, #tpu.dimension_semantics<subcore_parallel>], iteration_bounds = array<i64: 2, 16>, scalar_prefetch = 0 : i64, scratch_operands = 3 : i64, tpu.core_type = #tpu.core_type<sc_vector_subcore>, window_params = [{transform_indices = #map}, {transform_indices = #map1}, {transform_indices = #map}]} {
    %mul3A = arith.constant 2 : i32
    %mul3A_0 = arith.muli %arg1, %mul3A : i32
    %add3A = arith.addi %mul3A_0, %arg0 : i32
    %mul3A_1 = arith.constant 1024 : i32
    %mul3A_2 = arith.muli %add3A, %mul3A_1 : i32
    %add3A_3 = arith.constant 0 : i32
    %add3A_4 = arith.addi %mul3A_2, %add3A_3 : i32
    "tpu.region"() ({
      %run_scoped3A = tpu.sem_alloc : memref<!tpu.dma_semaphore, #tpu.memory_space<semaphore_mem>>
      %dma_start3A_21 = tpu.memref_slice %arg3[%add3A_4] : memref<32768xi32, #tpu.memory_space<hbm>> -> memref<512xi32, #tpu.memory_space<hbm>>
      %dma_start3A_22 = tpu.memref_slice %arg3[%add3A_4] : memref<32768xi32, #tpu.memory_space<hbm>> -> memref<512xi32, #tpu.memory_space<hbm>>
      tpu.enqueue_dma source(%dma_start3A_22 : memref<512xi32, #tpu.memory_space<hbm>>) target(%arg5 : memref<512xi32, #tpu.memory_space<vmem>>) target_semaphore(%run_scoped3A : memref<!tpu.dma_semaphore, #tpu.memory_space<semaphore_mem>>)
      %dma_wait3A_23 = tpu.memref_slice %arg3[%add3A_4] : memref<32768xi32, #tpu.memory_space<hbm>> -> memref<512xi32, #tpu.memory_space<hbm>>
      %dma_wait3A_24 = tpu.memref_slice %arg3[%add3A_4] : memref<32768xi32, #tpu.memory_space<hbm>> -> memref<512xi32, #tpu.memory_space<hbm>>
      tpu.wait_dma2 semaphore(%run_scoped3A : memref<!tpu.dma_semaphore, #tpu.memory_space<semaphore_mem>>) src(%dma_wait3A_24 : memref<512xi32, #tpu.memory_space<hbm>>) dst(%arg5 : memref<512xi32, #tpu.memory_space<vmem>>)
      tpu.yield
    }) : () -> ()
    %dma_start3A = arith.constant 0 : i32
    %dma_start3A_5 = arith.constant 0 : i32
    %dma_start3A_6 = tpu.memref_slice %arg2[%dma_start3A, %dma_start3A_5] : memref<1024x128xf32, #tpu.memory_space<hbm>> -> memref<1024x128xf32, #tpu.memory_space<hbm>>
    tpu.enqueue_indirect_dma source(%dma_start3A_6 : memref<1024x128xf32, #tpu.memory_space<hbm>>) target(%arg6 : memref<512x128xf32, #tpu.memory_space<vmem>>) offsets(%arg5 : memref<512xi32, #tpu.memory_space<vmem>>) semaphore(%arg7 : memref<!tpu.dma_semaphore, #tpu.memory_space<semaphore_mem>>)
    %dma_wait3A = arith.constant 0 : i32
    %dma_wait3A_7 = arith.constant 0 : i32
    %dma_wait3A_8 = tpu.memref_slice %arg2[%dma_wait3A, %dma_wait3A_7] : memref<1024x128xf32, #tpu.memory_space<hbm>> -> memref<1024x128xf32, #tpu.memory_space<hbm>>
    tpu.wait_indirect_dma semaphore(%arg7 : memref<!tpu.dma_semaphore, #tpu.memory_space<semaphore_mem>>) src(%dma_wait3A_8 : memref<1024x128xf32, #tpu.memory_space<hbm>>) dst(%arg6 : memref<512x128xf32, #tpu.memory_space<vmem>>)
    %add3A_9 = arith.constant 0 : i32
    %add3A_10 = arith.addi %mul3A_2, %add3A_9 : i32
    "tpu.region"() ({
      %run_scoped3A = tpu.sem_alloc : memref<!tpu.dma_semaphore, #tpu.memory_space<semaphore_mem>>
      %dma_start3A_21 = arith.constant 0 : i32
      %dma_start3A_22 = tpu.memref_slice %arg4[%add3A_10, %dma_start3A_21] : memref<32768x128xf32, #tpu.memory_space<hbm>> -> memref<512x128xf32, #tpu.memory_space<hbm>>
      %dma_start3A_23 = arith.constant 0 : i32
      %dma_start3A_24 = tpu.memref_slice %arg4[%add3A_10, %dma_start3A_23] : memref<32768x128xf32, #tpu.memory_space<hbm>> -> memref<512x128xf32, #tpu.memory_space<hbm>>
      tpu.enqueue_dma source(%arg6 : memref<512x128xf32, #tpu.memory_space<vmem>>) target(%dma_start3A_24 : memref<512x128xf32, #tpu.memory_space<hbm>>) target_semaphore(%run_scoped3A : memref<!tpu.dma_semaphore, #tpu.memory_space<semaphore_mem>>)
      %dma_wait3A_25 = arith.constant 0 : i32
      %dma_wait3A_26 = tpu.memref_slice %arg4[%add3A_10, %dma_wait3A_25] : memref<32768x128xf32, #tpu.memory_space<hbm>> -> memref<512x128xf32, #tpu.memory_space<hbm>>
      %dma_wait3A_27 = arith.constant 0 : i32
      %dma_wait3A_28 = tpu.memref_slice %arg4[%add3A_10, %dma_wait3A_27] : memref<32768x128xf32, #tpu.memory_space<hbm>> -> memref<512x128xf32, #tpu.memory_space<hbm>>
      tpu.wait_dma2 semaphore(%run_scoped3A : memref<!tpu.dma_semaphore, #tpu.memory_space<semaphore_mem>>) src(%arg6 : memref<512x128xf32, #tpu.memory_space<vmem>>) dst(%dma_wait3A_28 : memref<512x128xf32, #tpu.memory_space<hbm>>)
      tpu.yield
    }) : () -> ()
    %add3A_11 = arith.constant 512 : i32
    %add3A_12 = arith.addi %mul3A_2, %add3A_11 : i32
    "tpu.region"() ({
      %run_scoped3A = tpu.sem_alloc : memref<!tpu.dma_semaphore, #tpu.memory_space<semaphore_mem>>
      %dma_start3A_21 = tpu.memref_slice %arg3[%add3A_12] : memref<32768xi32, #tpu.memory_space<hbm>> -> memref<512xi32, #tpu.memory_space<hbm>>
      %dma_start3A_22 = tpu.memref_slice %arg3[%add3A_12] : memref<32768xi32, #tpu.memory_space<hbm>> -> memref<512xi32, #tpu.memory_space<hbm>>
      tpu.enqueue_dma source(%dma_start3A_22 : memref<512xi32, #tpu.memory_space<hbm>>) target(%arg5 : memref<512xi32, #tpu.memory_space<vmem>>) target_semaphore(%run_scoped3A : memref<!tpu.dma_semaphore, #tpu.memory_space<semaphore_mem>>)
      %dma_wait3A_23 = tpu.memref_slice %arg3[%add3A_12] : memref<32768xi32, #tpu.memory_space<hbm>> -> memref<512xi32, #tpu.memory_space<hbm>>
      %dma_wait3A_24 = tpu.memref_slice %arg3[%add3A_12] : memref<32768xi32, #tpu.memory_space<hbm>> -> memref<512xi32, #tpu.memory_space<hbm>>
      tpu.wait_dma2 semaphore(%run_scoped3A : memref<!tpu.dma_semaphore, #tpu.memory_space<semaphore_mem>>) src(%dma_wait3A_24 : memref<512xi32, #tpu.memory_space<hbm>>) dst(%arg5 : memref<512xi32, #tpu.memory_space<vmem>>)
      tpu.yield
    }) : () -> ()
    %dma_start3A_13 = arith.constant 0 : i32
    %dma_start3A_14 = arith.constant 0 : i32
    %dma_start3A_15 = tpu.memref_slice %arg2[%dma_start3A_13, %dma_start3A_14] : memref<1024x128xf32, #tpu.memory_space<hbm>> -> memref<1024x128xf32, #tpu.memory_space<hbm>>
    tpu.enqueue_indirect_dma source(%dma_start3A_15 : memref<1024x128xf32, #tpu.memory_space<hbm>>) target(%arg6 : memref<512x128xf32, #tpu.memory_space<vmem>>) offsets(%arg5 : memref<512xi32, #tpu.memory_space<vmem>>) semaphore(%arg7 : memref<!tpu.dma_semaphore, #tpu.memory_space<semaphore_mem>>)
    %dma_wait3A_16 = arith.constant 0 : i32
    %dma_wait3A_17 = arith.constant 0 : i32
    %dma_wait3A_18 = tpu.memref_slice %arg2[%dma_wait3A_16, %dma_wait3A_17] : memref<1024x128xf32, #tpu.memory_space<hbm>> -> memref<1024x128xf32, #tpu.memory_space<hbm>>
    tpu.wait_indirect_dma semaphore(%arg7 : memref<!tpu.dma_semaphore, #tpu.memory_space<semaphore_mem>>) src(%dma_wait3A_18 : memref<1024x128xf32, #tpu.memory_space<hbm>>) dst(%arg6 : memref<512x128xf32, #tpu.memory_space<vmem>>)
    %add3A_19 = arith.constant 512 : i32
    %add3A_20 = arith.addi %mul3A_2, %add3A_19 : i32
    "tpu.region"() ({
      %run_scoped3A = tpu.sem_alloc : memref<!tpu.dma_semaphore, #tpu.memory_space<semaphore_mem>>
      %dma_start3A_21 = arith.constant 0 : i32
      %dma_start3A_22 = tpu.memref_slice %arg4[%add3A_20, %dma_start3A_21] : memref<32768x128xf32, #tpu.memory_space<hbm>> -> memref<512x128xf32, #tpu.memory_space<hbm>>
      %dma_start3A_23 = arith.constant 0 : i32
      %dma_start3A_24 = tpu.memref_slice %arg4[%add3A_20, %dma_start3A_23] : memref<32768x128xf32, #tpu.memory_space<hbm>> -> memref<512x128xf32, #tpu.memory_space<hbm>>
      tpu.enqueue_dma source(%arg6 : memref<512x128xf32, #tpu.memory_space<vmem>>) target(%dma_start3A_24 : memref<512x128xf32, #tpu.memory_space<hbm>>) target_semaphore(%run_scoped3A : memref<!tpu.dma_semaphore, #tpu.memory_space<semaphore_mem>>)
      %dma_wait3A_25 = arith.constant 0 : i32
      %dma_wait3A_26 = tpu.memref_slice %arg4[%add3A_20, %dma_wait3A_25] : memref<32768x128xf32, #tpu.memory_space<hbm>> -> memref<512x128xf32, #tpu.memory_space<hbm>>
      %dma_wait3A_27 = arith.constant 0 : i32
      %dma_wait3A_28 = tpu.memref_slice %arg4[%add3A_20, %dma_wait3A_27] : memref<32768x128xf32, #tpu.memory_space<hbm>> -> memref<512x128xf32, #tpu.memory_space<hbm>>
      tpu.wait_dma2 semaphore(%run_scoped3A : memref<!tpu.dma_semaphore, #tpu.memory_space<semaphore_mem>>) src(%arg6 : memref<512x128xf32, #tpu.memory_space<vmem>>) dst(%dma_wait3A_28 : memref<512x128xf32, #tpu.memory_space<hbm>>)
      tpu.yield
    }) : () -> ()
    return
  }
}

module attributes {stable_mosaic.version = 14 : i64} {
  func.func @_argmin_first_block(%arg0: i32, %arg1: memref<1024x64xf32, #tpu.memory_space<vmem>>, %arg2: memref<1024x64xf32, #tpu.memory_space<vmem>>, %arg3: memref<1x1024xi32, #tpu.memory_space<vmem>>) attributes {dimension_semantics = [#tpu.dimension_semantics<arbitrary>], iteration_bounds = array<i64: 32>, scalar_prefetch = 0 : i64, scratch_operands = 0 : i64, tpu.core_type = #tpu.core_type<tc>, window_params = [{transform_indices = @transform_0, window_bounds = array<i64: 1024, 64>}, {pipeline_mode = #tpu.pipeline_mode<synchronous>, transform_indices = @transform_1, window_bounds = array<i64: 1024, 64>}, {transform_indices = @transform_2, window_bounds = array<i64: 1, 1024>}]} {
    %get3A = arith.constant 0 : index
    %get3A_0 = arith.constant 0 : index
    %get3A_1 = vector.load %arg1[%get3A, %get3A_0] : memref<1024x64xf32, #tpu.memory_space<vmem>>, vector<1024x64xf32>
    %get3A_2 = arith.constant 0 : index
    %get3A_3 = arith.constant 0 : index
    %get3A_4 = vector.load %arg2[%get3A_2, %get3A_3] : memref<1024x64xf32, #tpu.memory_space<vmem>>, vector<1024x64xf32>
    %mul3A = arith.mulf %get3A_1, %get3A_1 : vector<1024x64xf32>
    %reduce_sum3A = arith.constant dense<0.000000e+00> : vector<1024xf32>
    %reduce_sum3A_5 = vector.multi_reduction <add>, %mul3A, %reduce_sum3A [1] : vector<1024x64xf32> to vector<1024xf32>
    %broadcast_in_dim3A = vector.shape_cast %reduce_sum3A_5 : vector<1024xf32> to vector<1024x1xf32>
    %mul3A_6 = arith.mulf %get3A_4, %get3A_4 : vector<1024x64xf32>
    %reduce_sum3A_7 = arith.constant dense<0.000000e+00> : vector<1024xf32>
    %reduce_sum3A_8 = vector.multi_reduction <add>, %mul3A_6, %reduce_sum3A_7 [1] : vector<1024x64xf32> to vector<1024xf32>
    %broadcast_in_dim3A_9 = vector.shape_cast %reduce_sum3A_8 : vector<1024xf32> to vector<1x1024xf32>
    %dot_general3A = arith.constant dense<0.000000e+00> : vector<1024x1024xf32>
    %dot_general3A_10 = tpu.matmul %get3A_1, %get3A_4, %dot_general3A {dimension_numbers = #tpu.dot_dimension_numbers<[1], [1], [0], [0], [0, 0, 1, 0], [], []>, transpose_lhs_hint = false} : vector<1024x64xf32>, vector<1024x64xf32>, vector<1024x1024xf32> -> vector<1024x1024xf32>
    %slice3A = vector.extract_strided_slice %broadcast_in_dim3A_9 {offsets = [0, 0], sizes = [1, 128], strides = [1, 1]} : vector<1x1024xf32> to vector<1x128xf32>
    %add3A = vector.broadcast %broadcast_in_dim3A : vector<1024x1xf32> to vector<1024x128xf32>
    %add3A_11 = vector.broadcast %slice3A : vector<1x128xf32> to vector<1024x128xf32>
    %add3A_12 = arith.addf %add3A, %add3A_11 : vector<1024x128xf32>
    %slice3A_13 = vector.extract_strided_slice %dot_general3A_10 {offsets = [0, 0], sizes = [1024, 128], strides = [1, 1]} : vector<1024x1024xf32> to vector<1024x128xf32>
    %mul3A_14 = arith.constant 2.000000e+00 : f32
    %mul3A_15 = vector.broadcast %mul3A_14 : f32 to vector<1024x128xf32>
    %mul3A_16 = arith.mulf %mul3A_15, %slice3A_13 : vector<1024x128xf32>
    %sub3A = arith.subf %add3A_12, %mul3A_16 : vector<1024x128xf32>
    %broadcast_in_dim3A_17 = arith.constant 0 : i32
    %broadcast_in_dim3A_18 = vector.broadcast %broadcast_in_dim3A_17 : i32 to vector<1024x128xi32>
    %slice3A_19 = vector.extract_strided_slice %broadcast_in_dim3A_9 {offsets = [0, 128], sizes = [1, 128], strides = [1, 1]} : vector<1x1024xf32> to vector<1x128xf32>
    %add3A_20 = vector.broadcast %broadcast_in_dim3A : vector<1024x1xf32> to vector<1024x128xf32>
    %add3A_21 = vector.broadcast %slice3A_19 : vector<1x128xf32> to vector<1024x128xf32>
    %add3A_22 = arith.addf %add3A_20, %add3A_21 : vector<1024x128xf32>
    %slice3A_23 = vector.extract_strided_slice %dot_general3A_10 {offsets = [0, 128], sizes = [1024, 128], strides = [1, 1]} : vector<1024x1024xf32> to vector<1024x128xf32>
    %mul3A_24 = arith.constant 2.000000e+00 : f32
    %mul3A_25 = vector.broadcast %mul3A_24 : f32 to vector<1024x128xf32>
    %mul3A_26 = arith.mulf %mul3A_25, %slice3A_23 : vector<1024x128xf32>
    %sub3A_27 = arith.subf %add3A_22, %mul3A_26 : vector<1024x128xf32>
    %lt3A = arith.cmpf olt, %sub3A_27, %sub3A : vector<1024x128xf32>
    %jit3A = arith.constant 1 : i32
    %broadcast_in_dim3A_28 = vector.broadcast %jit3A : i32 to vector<1024x128xi32>
    %select_n3A = arith.select %lt3A, %broadcast_in_dim3A_28, %broadcast_in_dim3A_18 : vector<1024x128xi1>, vector<1024x128xi32>
    %select_n3A_29 = arith.select %lt3A, %sub3A_27, %sub3A : vector<1024x128xi1>, vector<1024x128xf32>
    %slice3A_30 = vector.extract_strided_slice %broadcast_in_dim3A_9 {offsets = [0, 256], sizes = [1, 128], strides = [1, 1]} : vector<1x1024xf32> to vector<1x128xf32>
    %add3A_31 = vector.broadcast %broadcast_in_dim3A : vector<1024x1xf32> to vector<1024x128xf32>
    %add3A_32 = vector.broadcast %slice3A_30 : vector<1x128xf32> to vector<1024x128xf32>
    %add3A_33 = arith.addf %add3A_31, %add3A_32 : vector<1024x128xf32>
    %slice3A_34 = vector.extract_strided_slice %dot_general3A_10 {offsets = [0, 256], sizes = [1024, 128], strides = [1, 1]} : vector<1024x1024xf32> to vector<1024x128xf32>
    %mul3A_35 = arith.constant 2.000000e+00 : f32
    %mul3A_36 = vector.broadcast %mul3A_35 : f32 to vector<1024x128xf32>
    %mul3A_37 = arith.mulf %mul3A_36, %slice3A_34 : vector<1024x128xf32>
    %sub3A_38 = arith.subf %add3A_33, %mul3A_37 : vector<1024x128xf32>
    %lt3A_39 = arith.cmpf olt, %sub3A_38, %select_n3A_29 : vector<1024x128xf32>
    %jit3A_40 = arith.constant 2 : i32
    %broadcast_in_dim3A_41 = vector.broadcast %jit3A_40 : i32 to vector<1024x128xi32>
    %select_n3A_42 = arith.select %lt3A_39, %broadcast_in_dim3A_41, %select_n3A : vector<1024x128xi1>, vector<1024x128xi32>
    %select_n3A_43 = arith.select %lt3A_39, %sub3A_38, %select_n3A_29 : vector<1024x128xi1>, vector<1024x128xf32>
    %slice3A_44 = vector.extract_strided_slice %broadcast_in_dim3A_9 {offsets = [0, 384], sizes = [1, 128], strides = [1, 1]} : vector<1x1024xf32> to vector<1x128xf32>
    %add3A_45 = vector.broadcast %broadcast_in_dim3A : vector<1024x1xf32> to vector<1024x128xf32>
    %add3A_46 = vector.broadcast %slice3A_44 : vector<1x128xf32> to vector<1024x128xf32>
    %add3A_47 = arith.addf %add3A_45, %add3A_46 : vector<1024x128xf32>
    %slice3A_48 = vector.extract_strided_slice %dot_general3A_10 {offsets = [0, 384], sizes = [1024, 128], strides = [1, 1]} : vector<1024x1024xf32> to vector<1024x128xf32>
    %mul3A_49 = arith.constant 2.000000e+00 : f32
    %mul3A_50 = vector.broadcast %mul3A_49 : f32 to vector<1024x128xf32>
    %mul3A_51 = arith.mulf %mul3A_50, %slice3A_48 : vector<1024x128xf32>
    %sub3A_52 = arith.subf %add3A_47, %mul3A_51 : vector<1024x128xf32>
    %lt3A_53 = arith.cmpf olt, %sub3A_52, %select_n3A_43 : vector<1024x128xf32>
    %jit3A_54 = arith.constant 3 : i32
    %broadcast_in_dim3A_55 = vector.broadcast %jit3A_54 : i32 to vector<1024x128xi32>
    %select_n3A_56 = arith.select %lt3A_53, %broadcast_in_dim3A_55, %select_n3A_42 : vector<1024x128xi1>, vector<1024x128xi32>
    %select_n3A_57 = arith.select %lt3A_53, %sub3A_52, %select_n3A_43 : vector<1024x128xi1>, vector<1024x128xf32>
    %slice3A_58 = vector.extract_strided_slice %broadcast_in_dim3A_9 {offsets = [0, 512], sizes = [1, 128], strides = [1, 1]} : vector<1x1024xf32> to vector<1x128xf32>
    %add3A_59 = vector.broadcast %broadcast_in_dim3A : vector<1024x1xf32> to vector<1024x128xf32>
    %add3A_60 = vector.broadcast %slice3A_58 : vector<1x128xf32> to vector<1024x128xf32>
    %add3A_61 = arith.addf %add3A_59, %add3A_60 : vector<1024x128xf32>
    %slice3A_62 = vector.extract_strided_slice %dot_general3A_10 {offsets = [0, 512], sizes = [1024, 128], strides = [1, 1]} : vector<1024x1024xf32> to vector<1024x128xf32>
    %mul3A_63 = arith.constant 2.000000e+00 : f32
    %mul3A_64 = vector.broadcast %mul3A_63 : f32 to vector<1024x128xf32>
    %mul3A_65 = arith.mulf %mul3A_64, %slice3A_62 : vector<1024x128xf32>
    %sub3A_66 = arith.subf %add3A_61, %mul3A_65 : vector<1024x128xf32>
    %lt3A_67 = arith.cmpf olt, %sub3A_66, %select_n3A_57 : vector<1024x128xf32>
    %jit3A_68 = arith.constant 4 : i32
    %broadcast_in_dim3A_69 = vector.broadcast %jit3A_68 : i32 to vector<1024x128xi32>
    %select_n3A_70 = arith.select %lt3A_67, %broadcast_in_dim3A_69, %select_n3A_56 : vector<1024x128xi1>, vector<1024x128xi32>
    %select_n3A_71 = arith.select %lt3A_67, %sub3A_66, %select_n3A_57 : vector<1024x128xi1>, vector<1024x128xf32>
    %slice3A_72 = vector.extract_strided_slice %broadcast_in_dim3A_9 {offsets = [0, 640], sizes = [1, 128], strides = [1, 1]} : vector<1x1024xf32> to vector<1x128xf32>
    %add3A_73 = vector.broadcast %broadcast_in_dim3A : vector<1024x1xf32> to vector<1024x128xf32>
    %add3A_74 = vector.broadcast %slice3A_72 : vector<1x128xf32> to vector<1024x128xf32>
    %add3A_75 = arith.addf %add3A_73, %add3A_74 : vector<1024x128xf32>
    %slice3A_76 = vector.extract_strided_slice %dot_general3A_10 {offsets = [0, 640], sizes = [1024, 128], strides = [1, 1]} : vector<1024x1024xf32> to vector<1024x128xf32>
    %mul3A_77 = arith.constant 2.000000e+00 : f32
    %mul3A_78 = vector.broadcast %mul3A_77 : f32 to vector<1024x128xf32>
    %mul3A_79 = arith.mulf %mul3A_78, %slice3A_76 : vector<1024x128xf32>
    %sub3A_80 = arith.subf %add3A_75, %mul3A_79 : vector<1024x128xf32>
    %lt3A_81 = arith.cmpf olt, %sub3A_80, %select_n3A_71 : vector<1024x128xf32>
    %jit3A_82 = arith.constant 5 : i32
    %broadcast_in_dim3A_83 = vector.broadcast %jit3A_82 : i32 to vector<1024x128xi32>
    %select_n3A_84 = arith.select %lt3A_81, %broadcast_in_dim3A_83, %select_n3A_70 : vector<1024x128xi1>, vector<1024x128xi32>
    %select_n3A_85 = arith.select %lt3A_81, %sub3A_80, %select_n3A_71 : vector<1024x128xi1>, vector<1024x128xf32>
    %slice3A_86 = vector.extract_strided_slice %broadcast_in_dim3A_9 {offsets = [0, 768], sizes = [1, 128], strides = [1, 1]} : vector<1x1024xf32> to vector<1x128xf32>
    %add3A_87 = vector.broadcast %broadcast_in_dim3A : vector<1024x1xf32> to vector<1024x128xf32>
    %add3A_88 = vector.broadcast %slice3A_86 : vector<1x128xf32> to vector<1024x128xf32>
    %add3A_89 = arith.addf %add3A_87, %add3A_88 : vector<1024x128xf32>
    %slice3A_90 = vector.extract_strided_slice %dot_general3A_10 {offsets = [0, 768], sizes = [1024, 128], strides = [1, 1]} : vector<1024x1024xf32> to vector<1024x128xf32>
    %mul3A_91 = arith.constant 2.000000e+00 : f32
    %mul3A_92 = vector.broadcast %mul3A_91 : f32 to vector<1024x128xf32>
    %mul3A_93 = arith.mulf %mul3A_92, %slice3A_90 : vector<1024x128xf32>
    %sub3A_94 = arith.subf %add3A_89, %mul3A_93 : vector<1024x128xf32>
    %lt3A_95 = arith.cmpf olt, %sub3A_94, %select_n3A_85 : vector<1024x128xf32>
    %jit3A_96 = arith.constant 6 : i32
    %broadcast_in_dim3A_97 = vector.broadcast %jit3A_96 : i32 to vector<1024x128xi32>
    %select_n3A_98 = arith.select %lt3A_95, %broadcast_in_dim3A_97, %select_n3A_84 : vector<1024x128xi1>, vector<1024x128xi32>
    %select_n3A_99 = arith.select %lt3A_95, %sub3A_94, %select_n3A_85 : vector<1024x128xi1>, vector<1024x128xf32>
    %slice3A_100 = vector.extract_strided_slice %broadcast_in_dim3A_9 {offsets = [0, 896], sizes = [1, 128], strides = [1, 1]} : vector<1x1024xf32> to vector<1x128xf32>
    %add3A_101 = vector.broadcast %broadcast_in_dim3A : vector<1024x1xf32> to vector<1024x128xf32>
    %add3A_102 = vector.broadcast %slice3A_100 : vector<1x128xf32> to vector<1024x128xf32>
    %add3A_103 = arith.addf %add3A_101, %add3A_102 : vector<1024x128xf32>
    %slice3A_104 = vector.extract_strided_slice %dot_general3A_10 {offsets = [0, 896], sizes = [1024, 128], strides = [1, 1]} : vector<1024x1024xf32> to vector<1024x128xf32>
    %mul3A_105 = arith.constant 2.000000e+00 : f32
    %mul3A_106 = vector.broadcast %mul3A_105 : f32 to vector<1024x128xf32>
    %mul3A_107 = arith.mulf %mul3A_106, %slice3A_104 : vector<1024x128xf32>
    %sub3A_108 = arith.subf %add3A_103, %mul3A_107 : vector<1024x128xf32>
    %lt3A_109 = arith.cmpf olt, %sub3A_108, %select_n3A_99 : vector<1024x128xf32>
    %jit3A_110 = arith.constant 7 : i32
    %broadcast_in_dim3A_111 = vector.broadcast %jit3A_110 : i32 to vector<1024x128xi32>
    %select_n3A_112 = arith.select %lt3A_109, %broadcast_in_dim3A_111, %select_n3A_98 : vector<1024x128xi1>, vector<1024x128xi32>
    %select_n3A_113 = arith.select %lt3A_109, %sub3A_108, %select_n3A_99 : vector<1024x128xi1>, vector<1024x128xf32>
    %iota3A = tpu.iota {dimensions = array<i32: 1>} : vector<1024x128xi32>
    %mul3A_114 = arith.constant 128 : i32
    %mul3A_115 = vector.broadcast %mul3A_114 : i32 to vector<1024x128xi32>
    %mul3A_116 = arith.muli %select_n3A_112, %mul3A_115 : vector<1024x128xi32>
    %add3A_117 = arith.addi %mul3A_116, %iota3A : vector<1024x128xi32>
    %reduce_min3A = arith.constant dense<0x7F800000> : vector<1024xf32>
    %reduce_min3A_118 = vector.multi_reduction <minimumf>, %select_n3A_113, %reduce_min3A [1] : vector<1024x128xf32> to vector<1024xf32>
    %broadcast_in_dim3A_119 = vector.shape_cast %reduce_min3A_118 : vector<1024xf32> to vector<1024x1xf32>
    %eq3A = vector.broadcast %broadcast_in_dim3A_119 : vector<1024x1xf32> to vector<1024x128xf32>
    %eq3A_120 = arith.cmpf oeq, %select_n3A_113, %eq3A : vector<1024x128xf32>
    %jit3A_121 = arith.constant 1024 : i32
    %broadcast_in_dim3A_122 = vector.broadcast %jit3A_121 : i32 to vector<1024x128xi32>
    %select_n3A_123 = arith.select %eq3A_120, %add3A_117, %broadcast_in_dim3A_122 : vector<1024x128xi1>, vector<1024x128xi32>
    %reduce_min3A_124 = arith.constant dense<2147483647> : vector<1024xi32>
    %reduce_min3A_125 = vector.multi_reduction <minsi>, %select_n3A_123, %reduce_min3A_124 [1] : vector<1024x128xi32> to vector<1024xi32>
    %broadcast_in_dim3A_126 = vector.shape_cast %reduce_min3A_125 : vector<1024xi32> to vector<1x1024xi32>
    %swap3A = arith.constant 0 : index
    %swap3A_127 = arith.constant 0 : index
    %swap3A_128 = vector.load %arg3[%swap3A, %swap3A_127] : memref<1x1024xi32, #tpu.memory_space<vmem>>, vector<1x1024xi32>
    tpu.vector_store %arg3[%swap3A, %swap3A_127], %broadcast_in_dim3A_126 {strides = array<i32>} : memref<1x1024xi32, #tpu.memory_space<vmem>>, vector<1x1024xi32>,
    return
  }
  func.func @transform_0(%arg0: i32) -> (i32, i32) {
    %c0_i32 = arith.constant 0 : i32
    %c0_i32_0 = arith.constant 0 : i32
    return %arg0, %c0_i32 : i32, i32
  }
  func.func @transform_1(%arg0: i32) -> (i32, i32) {
    %c0_i32 = arith.constant 0 : i32
    %c0_i32_0 = arith.constant 0 : i32
    %c0_i32_1 = arith.constant 0 : i32
    return %c0_i32, %c0_i32_0 : i32, i32
  }
  func.func @transform_2(%arg0: i32) -> (i32, i32) {
    %c0_i32 = arith.constant 0 : i32
    %c0_i32_0 = arith.constant 0 : i32
    return %c0_i32, %arg0 : i32, i32
  }
}

module attributes {stable_mosaic.version = 14 : i64} {
  func.func @_argmin_rest_block(%arg0: i32, %arg1: memref<1024x64xf32, #tpu.memory_space<vmem>>, %arg2: memref<1024x128xf32, #tpu.memory_space<vmem>>, %arg3: memref<1024x64xf32, #tpu.memory_space<vmem>>, %arg4: memref<1024x64xf32, #tpu.memory_space<vmem>>, %arg5: memref<1x1024xi32, #tpu.memory_space<vmem>>) attributes {dimension_semantics = [#tpu.dimension_semantics<arbitrary>], iteration_bounds = array<i64: 32>, scalar_prefetch = 0 : i64, scratch_operands = 0 : i64, tpu.core_type = #tpu.core_type<tc>, window_params = [{transform_indices = @transform_0, window_bounds = array<i64: 1024, 64>}, {transform_indices = @transform_1, window_bounds = array<i64: 1024, 128>}, {pipeline_mode = #tpu.pipeline_mode<synchronous>, transform_indices = @transform_2, window_bounds = array<i64: 1024, 64>}, {transform_indices = @transform_3, window_bounds = array<i64: 1024, 64>}, {transform_indices = @transform_4, window_bounds = array<i64: 1, 1024>}]} {
    %get3A = arith.constant 0 : index
    %get3A_0 = arith.constant 0 : index
    %get3A_1 = vector.load %arg1[%get3A, %get3A_0] : memref<1024x64xf32, #tpu.memory_space<vmem>>, vector<1024x64xf32>
    %get3A_2 = arith.constant 0 : index
    %get3A_3 = arith.constant 0 : index
    %get3A_4 = vector.load %arg2[%get3A_2, %get3A_3] : memref<1024x128xf32, #tpu.memory_space<vmem>>, vector<1024x64xf32>
    %sub3A = arith.subf %get3A_1, %get3A_4 : vector<1024x64xf32>
    %swap3A = arith.constant 0 : index
    %swap3A_5 = arith.constant 0 : index
    %swap3A_6 = vector.load %arg4[%swap3A, %swap3A_5] : memref<1024x64xf32, #tpu.memory_space<vmem>>, vector<1024x64xf32>
    tpu.vector_store %arg4[%swap3A, %swap3A_5], %sub3A {strides = array<i32>} : memref<1024x64xf32, #tpu.memory_space<vmem>>, vector<1024x64xf32>,
    %get3A_7 = arith.constant 0 : index
    %get3A_8 = arith.constant 0 : index
    %get3A_9 = vector.load %arg3[%get3A_7, %get3A_8] : memref<1024x64xf32, #tpu.memory_space<vmem>>, vector<1024x64xf32>
    %mul3A = arith.mulf %sub3A, %sub3A : vector<1024x64xf32>
    %reduce_sum3A = arith.constant dense<0.000000e+00> : vector<1024xf32>
    %reduce_sum3A_10 = vector.multi_reduction <add>, %mul3A, %reduce_sum3A [1] : vector<1024x64xf32> to vector<1024xf32>
    %broadcast_in_dim3A = vector.shape_cast %reduce_sum3A_10 : vector<1024xf32> to vector<1024x1xf32>
    %mul3A_11 = arith.mulf %get3A_9, %get3A_9 : vector<1024x64xf32>
    %reduce_sum3A_12 = arith.constant dense<0.000000e+00> : vector<1024xf32>
    %reduce_sum3A_13 = vector.multi_reduction <add>, %mul3A_11, %reduce_sum3A_12 [1] : vector<1024x64xf32> to vector<1024xf32>
    %broadcast_in_dim3A_14 = vector.shape_cast %reduce_sum3A_13 : vector<1024xf32> to vector<1x1024xf32>
    %dot_general3A = arith.constant dense<0.000000e+00> : vector<1024x1024xf32>
    %dot_general3A_15 = tpu.matmul %sub3A, %get3A_9, %dot_general3A {dimension_numbers = #tpu.dot_dimension_numbers<[1], [1], [0], [0], [0, 0, 1, 0], [], []>, transpose_lhs_hint = false} : vector<1024x64xf32>, vector<1024x64xf32>, vector<1024x1024xf32> -> vector<1024x1024xf32>
    %slice3A = vector.extract_strided_slice %broadcast_in_dim3A_14 {offsets = [0, 0], sizes = [1, 128], strides = [1, 1]} : vector<1x1024xf32> to vector<1x128xf32>
    %add3A = vector.broadcast %broadcast_in_dim3A : vector<1024x1xf32> to vector<1024x128xf32>
    %add3A_16 = vector.broadcast %slice3A : vector<1x128xf32> to vector<1024x128xf32>
    %add3A_17 = arith.addf %add3A, %add3A_16 : vector<1024x128xf32>
    %slice3A_18 = vector.extract_strided_slice %dot_general3A_15 {offsets = [0, 0], sizes = [1024, 128], strides = [1, 1]} : vector<1024x1024xf32> to vector<1024x128xf32>
    %mul3A_19 = arith.constant 2.000000e+00 : f32
    %mul3A_20 = vector.broadcast %mul3A_19 : f32 to vector<1024x128xf32>
    %mul3A_21 = arith.mulf %mul3A_20, %slice3A_18 : vector<1024x128xf32>
    %sub3A_22 = arith.subf %add3A_17, %mul3A_21 : vector<1024x128xf32>
    %broadcast_in_dim3A_23 = arith.constant 0 : i32
    %broadcast_in_dim3A_24 = vector.broadcast %broadcast_in_dim3A_23 : i32 to vector<1024x128xi32>
    %slice3A_25 = vector.extract_strided_slice %broadcast_in_dim3A_14 {offsets = [0, 128], sizes = [1, 128], strides = [1, 1]} : vector<1x1024xf32> to vector<1x128xf32>
    %add3A_26 = vector.broadcast %broadcast_in_dim3A : vector<1024x1xf32> to vector<1024x128xf32>
    %add3A_27 = vector.broadcast %slice3A_25 : vector<1x128xf32> to vector<1024x128xf32>
    %add3A_28 = arith.addf %add3A_26, %add3A_27 : vector<1024x128xf32>
    %slice3A_29 = vector.extract_strided_slice %dot_general3A_15 {offsets = [0, 128], sizes = [1024, 128], strides = [1, 1]} : vector<1024x1024xf32> to vector<1024x128xf32>
    %mul3A_30 = arith.constant 2.000000e+00 : f32
    %mul3A_31 = vector.broadcast %mul3A_30 : f32 to vector<1024x128xf32>
    %mul3A_32 = arith.mulf %mul3A_31, %slice3A_29 : vector<1024x128xf32>
    %sub3A_33 = arith.subf %add3A_28, %mul3A_32 : vector<1024x128xf32>
    %lt3A = arith.cmpf olt, %sub3A_33, %sub3A_22 : vector<1024x128xf32>
    %jit3A = arith.constant 1 : i32
    %broadcast_in_dim3A_34 = vector.broadcast %jit3A : i32 to vector<1024x128xi32>
    %select_n3A = arith.select %lt3A, %broadcast_in_dim3A_34, %broadcast_in_dim3A_24 : vector<1024x128xi1>, vector<1024x128xi32>
    %select_n3A_35 = arith.select %lt3A, %sub3A_33, %sub3A_22 : vector<1024x128xi1>, vector<1024x128xf32>
    %slice3A_36 = vector.extract_strided_slice %broadcast_in_dim3A_14 {offsets = [0, 256], sizes = [1, 128], strides = [1, 1]} : vector<1x1024xf32> to vector<1x128xf32>
    %add3A_37 = vector.broadcast %broadcast_in_dim3A : vector<1024x1xf32> to vector<1024x128xf32>
    %add3A_38 = vector.broadcast %slice3A_36 : vector<1x128xf32> to vector<1024x128xf32>
    %add3A_39 = arith.addf %add3A_37, %add3A_38 : vector<1024x128xf32>
    %slice3A_40 = vector.extract_strided_slice %dot_general3A_15 {offsets = [0, 256], sizes = [1024, 128], strides = [1, 1]} : vector<1024x1024xf32> to vector<1024x128xf32>
    %mul3A_41 = arith.constant 2.000000e+00 : f32
    %mul3A_42 = vector.broadcast %mul3A_41 : f32 to vector<1024x128xf32>
    %mul3A_43 = arith.mulf %mul3A_42, %slice3A_40 : vector<1024x128xf32>
    %sub3A_44 = arith.subf %add3A_39, %mul3A_43 : vector<1024x128xf32>
    %lt3A_45 = arith.cmpf olt, %sub3A_44, %select_n3A_35 : vector<1024x128xf32>
    %jit3A_46 = arith.constant 2 : i32
    %broadcast_in_dim3A_47 = vector.broadcast %jit3A_46 : i32 to vector<1024x128xi32>
    %select_n3A_48 = arith.select %lt3A_45, %broadcast_in_dim3A_47, %select_n3A : vector<1024x128xi1>, vector<1024x128xi32>
    %select_n3A_49 = arith.select %lt3A_45, %sub3A_44, %select_n3A_35 : vector<1024x128xi1>, vector<1024x128xf32>
    %slice3A_50 = vector.extract_strided_slice %broadcast_in_dim3A_14 {offsets = [0, 384], sizes = [1, 128], strides = [1, 1]} : vector<1x1024xf32> to vector<1x128xf32>
    %add3A_51 = vector.broadcast %broadcast_in_dim3A : vector<1024x1xf32> to vector<1024x128xf32>
    %add3A_52 = vector.broadcast %slice3A_50 : vector<1x128xf32> to vector<1024x128xf32>
    %add3A_53 = arith.addf %add3A_51, %add3A_52 : vector<1024x128xf32>
    %slice3A_54 = vector.extract_strided_slice %dot_general3A_15 {offsets = [0, 384], sizes = [1024, 128], strides = [1, 1]} : vector<1024x1024xf32> to vector<1024x128xf32>
    %mul3A_55 = arith.constant 2.000000e+00 : f32
    %mul3A_56 = vector.broadcast %mul3A_55 : f32 to vector<1024x128xf32>
    %mul3A_57 = arith.mulf %mul3A_56, %slice3A_54 : vector<1024x128xf32>
    %sub3A_58 = arith.subf %add3A_53, %mul3A_57 : vector<1024x128xf32>
    %lt3A_59 = arith.cmpf olt, %sub3A_58, %select_n3A_49 : vector<1024x128xf32>
    %jit3A_60 = arith.constant 3 : i32
    %broadcast_in_dim3A_61 = vector.broadcast %jit3A_60 : i32 to vector<1024x128xi32>
    %select_n3A_62 = arith.select %lt3A_59, %broadcast_in_dim3A_61, %select_n3A_48 : vector<1024x128xi1>, vector<1024x128xi32>
    %select_n3A_63 = arith.select %lt3A_59, %sub3A_58, %select_n3A_49 : vector<1024x128xi1>, vector<1024x128xf32>
    %slice3A_64 = vector.extract_strided_slice %broadcast_in_dim3A_14 {offsets = [0, 512], sizes = [1, 128], strides = [1, 1]} : vector<1x1024xf32> to vector<1x128xf32>
    %add3A_65 = vector.broadcast %broadcast_in_dim3A : vector<1024x1xf32> to vector<1024x128xf32>
    %add3A_66 = vector.broadcast %slice3A_64 : vector<1x128xf32> to vector<1024x128xf32>
    %add3A_67 = arith.addf %add3A_65, %add3A_66 : vector<1024x128xf32>
    %slice3A_68 = vector.extract_strided_slice %dot_general3A_15 {offsets = [0, 512], sizes = [1024, 128], strides = [1, 1]} : vector<1024x1024xf32> to vector<1024x128xf32>
    %mul3A_69 = arith.constant 2.000000e+00 : f32
    %mul3A_70 = vector.broadcast %mul3A_69 : f32 to vector<1024x128xf32>
    %mul3A_71 = arith.mulf %mul3A_70, %slice3A_68 : vector<1024x128xf32>
    %sub3A_72 = arith.subf %add3A_67, %mul3A_71 : vector<1024x128xf32>
    %lt3A_73 = arith.cmpf olt, %sub3A_72, %select_n3A_63 : vector<1024x128xf32>
    %jit3A_74 = arith.constant 4 : i32
    %broadcast_in_dim3A_75 = vector.broadcast %jit3A_74 : i32 to vector<1024x128xi32>
    %select_n3A_76 = arith.select %lt3A_73, %broadcast_in_dim3A_75, %select_n3A_62 : vector<1024x128xi1>, vector<1024x128xi32>
    %select_n3A_77 = arith.select %lt3A_73, %sub3A_72, %select_n3A_63 : vector<1024x128xi1>, vector<1024x128xf32>
    %slice3A_78 = vector.extract_strided_slice %broadcast_in_dim3A_14 {offsets = [0, 640], sizes = [1, 128], strides = [1, 1]} : vector<1x1024xf32> to vector<1x128xf32>
    %add3A_79 = vector.broadcast %broadcast_in_dim3A : vector<1024x1xf32> to vector<1024x128xf32>
    %add3A_80 = vector.broadcast %slice3A_78 : vector<1x128xf32> to vector<1024x128xf32>
    %add3A_81 = arith.addf %add3A_79, %add3A_80 : vector<1024x128xf32>
    %slice3A_82 = vector.extract_strided_slice %dot_general3A_15 {offsets = [0, 640], sizes = [1024, 128], strides = [1, 1]} : vector<1024x1024xf32> to vector<1024x128xf32>
    %mul3A_83 = arith.constant 2.000000e+00 : f32
    %mul3A_84 = vector.broadcast %mul3A_83 : f32 to vector<1024x128xf32>
    %mul3A_85 = arith.mulf %mul3A_84, %slice3A_82 : vector<1024x128xf32>
    %sub3A_86 = arith.subf %add3A_81, %mul3A_85 : vector<1024x128xf32>
    %lt3A_87 = arith.cmpf olt, %sub3A_86, %select_n3A_77 : vector<1024x128xf32>
    %jit3A_88 = arith.constant 5 : i32
    %broadcast_in_dim3A_89 = vector.broadcast %jit3A_88 : i32 to vector<1024x128xi32>
    %select_n3A_90 = arith.select %lt3A_87, %broadcast_in_dim3A_89, %select_n3A_76 : vector<1024x128xi1>, vector<1024x128xi32>
    %select_n3A_91 = arith.select %lt3A_87, %sub3A_86, %select_n3A_77 : vector<1024x128xi1>, vector<1024x128xf32>
    %slice3A_92 = vector.extract_strided_slice %broadcast_in_dim3A_14 {offsets = [0, 768], sizes = [1, 128], strides = [1, 1]} : vector<1x1024xf32> to vector<1x128xf32>
    %add3A_93 = vector.broadcast %broadcast_in_dim3A : vector<1024x1xf32> to vector<1024x128xf32>
    %add3A_94 = vector.broadcast %slice3A_92 : vector<1x128xf32> to vector<1024x128xf32>
    %add3A_95 = arith.addf %add3A_93, %add3A_94 : vector<1024x128xf32>
    %slice3A_96 = vector.extract_strided_slice %dot_general3A_15 {offsets = [0, 768], sizes = [1024, 128], strides = [1, 1]} : vector<1024x1024xf32> to vector<1024x128xf32>
    %mul3A_97 = arith.constant 2.000000e+00 : f32
    %mul3A_98 = vector.broadcast %mul3A_97 : f32 to vector<1024x128xf32>
    %mul3A_99 = arith.mulf %mul3A_98, %slice3A_96 : vector<1024x128xf32>
    %sub3A_100 = arith.subf %add3A_95, %mul3A_99 : vector<1024x128xf32>
    %lt3A_101 = arith.cmpf olt, %sub3A_100, %select_n3A_91 : vector<1024x128xf32>
    %jit3A_102 = arith.constant 6 : i32
    %broadcast_in_dim3A_103 = vector.broadcast %jit3A_102 : i32 to vector<1024x128xi32>
    %select_n3A_104 = arith.select %lt3A_101, %broadcast_in_dim3A_103, %select_n3A_90 : vector<1024x128xi1>, vector<1024x128xi32>
    %select_n3A_105 = arith.select %lt3A_101, %sub3A_100, %select_n3A_91 : vector<1024x128xi1>, vector<1024x128xf32>
    %slice3A_106 = vector.extract_strided_slice %broadcast_in_dim3A_14 {offsets = [0, 896], sizes = [1, 128], strides = [1, 1]} : vector<1x1024xf32> to vector<1x128xf32>
    %add3A_107 = vector.broadcast %broadcast_in_dim3A : vector<1024x1xf32> to vector<1024x128xf32>
    %add3A_108 = vector.broadcast %slice3A_106 : vector<1x128xf32> to vector<1024x128xf32>
    %add3A_109 = arith.addf %add3A_107, %add3A_108 : vector<1024x128xf32>
    %slice3A_110 = vector.extract_strided_slice %dot_general3A_15 {offsets = [0, 896], sizes = [1024, 128], strides = [1, 1]} : vector<1024x1024xf32> to vector<1024x128xf32>
    %mul3A_111 = arith.constant 2.000000e+00 : f32
    %mul3A_112 = vector.broadcast %mul3A_111 : f32 to vector<1024x128xf32>
    %mul3A_113 = arith.mulf %mul3A_112, %slice3A_110 : vector<1024x128xf32>
    %sub3A_114 = arith.subf %add3A_109, %mul3A_113 : vector<1024x128xf32>
    %lt3A_115 = arith.cmpf olt, %sub3A_114, %select_n3A_105 : vector<1024x128xf32>
    %jit3A_116 = arith.constant 7 : i32
    %broadcast_in_dim3A_117 = vector.broadcast %jit3A_116 : i32 to vector<1024x128xi32>
    %select_n3A_118 = arith.select %lt3A_115, %broadcast_in_dim3A_117, %select_n3A_104 : vector<1024x128xi1>, vector<1024x128xi32>
    %select_n3A_119 = arith.select %lt3A_115, %sub3A_114, %select_n3A_105 : vector<1024x128xi1>, vector<1024x128xf32>
    %iota3A = tpu.iota {dimensions = array<i32: 1>} : vector<1024x128xi32>
    %mul3A_120 = arith.constant 128 : i32
    %mul3A_121 = vector.broadcast %mul3A_120 : i32 to vector<1024x128xi32>
    %mul3A_122 = arith.muli %select_n3A_118, %mul3A_121 : vector<1024x128xi32>
    %add3A_123 = arith.addi %mul3A_122, %iota3A : vector<1024x128xi32>
    %reduce_min3A = arith.constant dense<0x7F800000> : vector<1024xf32>
    %reduce_min3A_124 = vector.multi_reduction <minimumf>, %select_n3A_119, %reduce_min3A [1] : vector<1024x128xf32> to vector<1024xf32>
    %broadcast_in_dim3A_125 = vector.shape_cast %reduce_min3A_124 : vector<1024xf32> to vector<1024x1xf32>
    %eq3A = vector.broadcast %broadcast_in_dim3A_125 : vector<1024x1xf32> to vector<1024x128xf32>
    %eq3A_126 = arith.cmpf oeq, %select_n3A_119, %eq3A : vector<1024x128xf32>
    %jit3A_127 = arith.constant 1024 : i32
    %broadcast_in_dim3A_128 = vector.broadcast %jit3A_127 : i32 to vector<1024x128xi32>
    %select_n3A_129 = arith.select %eq3A_126, %add3A_123, %broadcast_in_dim3A_128 : vector<1024x128xi1>, vector<1024x128xi32>
    %reduce_min3A_130 = arith.constant dense<2147483647> : vector<1024xi32>
    %reduce_min3A_131 = vector.multi_reduction <minsi>, %select_n3A_129, %reduce_min3A_130 [1] : vector<1024x128xi32> to vector<1024xi32>
    %broadcast_in_dim3A_132 = vector.shape_cast %reduce_min3A_131 : vector<1024xi32> to vector<1x1024xi32>
    %swap3A_133 = arith.constant 0 : index
    %swap3A_134 = arith.constant 0 : index
    %swap3A_135 = vector.load %arg5[%swap3A_133, %swap3A_134] : memref<1x1024xi32, #tpu.memory_space<vmem>>, vector<1x1024xi32>
    tpu.vector_store %arg5[%swap3A_133, %swap3A_134], %broadcast_in_dim3A_132 {strides = array<i32>} : memref<1x1024xi32, #tpu.memory_space<vmem>>, vector<1x1024xi32>,
    return
  }
  func.func @transform_0(%arg0: i32) -> (i32, i32) {
    %c0_i32 = arith.constant 0 : i32
    %c0_i32_0 = arith.constant 0 : i32
    return %arg0, %c0_i32 : i32, i32
  }
  func.func @transform_1(%arg0: i32) -> (i32, i32) {
    %c0_i32 = arith.constant 0 : i32
    %c0_i32_0 = arith.constant 0 : i32
    return %arg0, %c0_i32 : i32, i32
  }
  func.func @transform_2(%arg0: i32) -> (i32, i32) {
    %c0_i32 = arith.constant 0 : i32
    %c0_i32_0 = arith.constant 0 : i32
    %c0_i32_1 = arith.constant 0 : i32
    return %c0_i32, %c0_i32_0 : i32, i32
  }
  func.func @transform_3(%arg0: i32) -> (i32, i32) {
    %c0_i32 = arith.constant 0 : i32
    %c0_i32_0 = arith.constant 0 : i32
    return %arg0, %c0_i32 : i32, i32
  }
  func.func @transform_4(%arg0: i32) -> (i32, i32) {
    %c0_i32 = arith.constant 0 : i32
    %c0_i32_0 = arith.constant 0 : i32
    return %c0_i32, %arg0 : i32, i32
  }
}

module attributes {stable_mosaic.version = 14 : i64} {
  func.func @_argmin_rest_block(%arg0: i32, %arg1: memref<1024x64xf32, #tpu.memory_space<vmem>>, %arg2: memref<1024x128xf32, #tpu.memory_space<vmem>>, %arg3: memref<1024x64xf32, #tpu.memory_space<vmem>>, %arg4: memref<1024x64xf32, #tpu.memory_space<vmem>>, %arg5: memref<1x1024xi32, #tpu.memory_space<vmem>>) attributes {dimension_semantics = [#tpu.dimension_semantics<arbitrary>], iteration_bounds = array<i64: 32>, scalar_prefetch = 0 : i64, scratch_operands = 0 : i64, tpu.core_type = #tpu.core_type<tc>, window_params = [{transform_indices = @transform_0, window_bounds = array<i64: 1024, 64>}, {transform_indices = @transform_1, window_bounds = array<i64: 1024, 128>}, {pipeline_mode = #tpu.pipeline_mode<synchronous>, transform_indices = @transform_2, window_bounds = array<i64: 1024, 64>}, {transform_indices = @transform_3, window_bounds = array<i64: 1024, 64>}, {transform_indices = @transform_4, window_bounds = array<i64: 1, 1024>}]} {
    %get3A = arith.constant 0 : index
    %get3A_0 = arith.constant 0 : index
    %get3A_1 = vector.load %arg1[%get3A, %get3A_0] : memref<1024x64xf32, #tpu.memory_space<vmem>>, vector<1024x64xf32>
    %get3A_2 = arith.constant 0 : index
    %get3A_3 = arith.constant 0 : index
    %get3A_4 = vector.load %arg2[%get3A_2, %get3A_3] : memref<1024x128xf32, #tpu.memory_space<vmem>>, vector<1024x64xf32>
    %sub3A = arith.subf %get3A_1, %get3A_4 : vector<1024x64xf32>
    %swap3A = arith.constant 0 : index
    %swap3A_5 = arith.constant 0 : index
    %swap3A_6 = vector.load %arg4[%swap3A, %swap3A_5] : memref<1024x64xf32, #tpu.memory_space<vmem>>, vector<1024x64xf32>
    tpu.vector_store %arg4[%swap3A, %swap3A_5], %sub3A {strides = array<i32>} : memref<1024x64xf32, #tpu.memory_space<vmem>>, vector<1024x64xf32>,
    %get3A_7 = arith.constant 0 : index
    %get3A_8 = arith.constant 0 : index
    %get3A_9 = vector.load %arg3[%get3A_7, %get3A_8] : memref<1024x64xf32, #tpu.memory_space<vmem>>, vector<1024x64xf32>
    %mul3A = arith.mulf %sub3A, %sub3A : vector<1024x64xf32>
    %reduce_sum3A = arith.constant dense<0.000000e+00> : vector<1024xf32>
    %reduce_sum3A_10 = vector.multi_reduction <add>, %mul3A, %reduce_sum3A [1] : vector<1024x64xf32> to vector<1024xf32>
    %broadcast_in_dim3A = vector.shape_cast %reduce_sum3A_10 : vector<1024xf32> to vector<1024x1xf32>
    %mul3A_11 = arith.mulf %get3A_9, %get3A_9 : vector<1024x64xf32>
    %reduce_sum3A_12 = arith.constant dense<0.000000e+00> : vector<1024xf32>
    %reduce_sum3A_13 = vector.multi_reduction <add>, %mul3A_11, %reduce_sum3A_12 [1] : vector<1024x64xf32> to vector<1024xf32>
    %broadcast_in_dim3A_14 = vector.shape_cast %reduce_sum3A_13 : vector<1024xf32> to vector<1x1024xf32>
    %dot_general3A = arith.constant dense<0.000000e+00> : vector<1024x1024xf32>
    %dot_general3A_15 = tpu.matmul %sub3A, %get3A_9, %dot_general3A {dimension_numbers = #tpu.dot_dimension_numbers<[1], [1], [0], [0], [0, 0, 1, 0], [], []>, transpose_lhs_hint = false} : vector<1024x64xf32>, vector<1024x64xf32>, vector<1024x1024xf32> -> vector<1024x1024xf32>
    %slice3A = vector.extract_strided_slice %broadcast_in_dim3A_14 {offsets = [0, 0], sizes = [1, 128], strides = [1, 1]} : vector<1x1024xf32> to vector<1x128xf32>
    %add3A = vector.broadcast %broadcast_in_dim3A : vector<1024x1xf32> to vector<1024x128xf32>
    %add3A_16 = vector.broadcast %slice3A : vector<1x128xf32> to vector<1024x128xf32>
    %add3A_17 = arith.addf %add3A, %add3A_16 : vector<1024x128xf32>
    %slice3A_18 = vector.extract_strided_slice %dot_general3A_15 {offsets = [0, 0], sizes = [1024, 128], strides = [1, 1]} : vector<1024x1024xf32> to vector<1024x128xf32>
    %mul3A_19 = arith.constant 2.000000e+00 : f32
    %mul3A_20 = vector.broadcast %mul3A_19 : f32 to vector<1024x128xf32>
    %mul3A_21 = arith.mulf %mul3A_20, %slice3A_18 : vector<1024x128xf32>
    %sub3A_22 = arith.subf %add3A_17, %mul3A_21 : vector<1024x128xf32>
    %broadcast_in_dim3A_23 = arith.constant 0 : i32
    %broadcast_in_dim3A_24 = vector.broadcast %broadcast_in_dim3A_23 : i32 to vector<1024x128xi32>
    %slice3A_25 = vector.extract_strided_slice %broadcast_in_dim3A_14 {offsets = [0, 128], sizes = [1, 128], strides = [1, 1]} : vector<1x1024xf32> to vector<1x128xf32>
    %add3A_26 = vector.broadcast %broadcast_in_dim3A : vector<1024x1xf32> to vector<1024x128xf32>
    %add3A_27 = vector.broadcast %slice3A_25 : vector<1x128xf32> to vector<1024x128xf32>
    %add3A_28 = arith.addf %add3A_26, %add3A_27 : vector<1024x128xf32>
    %slice3A_29 = vector.extract_strided_slice %dot_general3A_15 {offsets = [0, 128], sizes = [1024, 128], strides = [1, 1]} : vector<1024x1024xf32> to vector<1024x128xf32>
    %mul3A_30 = arith.constant 2.000000e+00 : f32
    %mul3A_31 = vector.broadcast %mul3A_30 : f32 to vector<1024x128xf32>
    %mul3A_32 = arith.mulf %mul3A_31, %slice3A_29 : vector<1024x128xf32>
    %sub3A_33 = arith.subf %add3A_28, %mul3A_32 : vector<1024x128xf32>
    %lt3A = arith.cmpf olt, %sub3A_33, %sub3A_22 : vector<1024x128xf32>
    %jit3A = arith.constant 1 : i32
    %broadcast_in_dim3A_34 = vector.broadcast %jit3A : i32 to vector<1024x128xi32>
    %select_n3A = arith.select %lt3A, %broadcast_in_dim3A_34, %broadcast_in_dim3A_24 : vector<1024x128xi1>, vector<1024x128xi32>
    %select_n3A_35 = arith.select %lt3A, %sub3A_33, %sub3A_22 : vector<1024x128xi1>, vector<1024x128xf32>
    %slice3A_36 = vector.extract_strided_slice %broadcast_in_dim3A_14 {offsets = [0, 256], sizes = [1, 128], strides = [1, 1]} : vector<1x1024xf32> to vector<1x128xf32>
    %add3A_37 = vector.broadcast %broadcast_in_dim3A : vector<1024x1xf32> to vector<1024x128xf32>
    %add3A_38 = vector.broadcast %slice3A_36 : vector<1x128xf32> to vector<1024x128xf32>
    %add3A_39 = arith.addf %add3A_37, %add3A_38 : vector<1024x128xf32>
    %slice3A_40 = vector.extract_strided_slice %dot_general3A_15 {offsets = [0, 256], sizes = [1024, 128], strides = [1, 1]} : vector<1024x1024xf32> to vector<1024x128xf32>
    %mul3A_41 = arith.constant 2.000000e+00 : f32
    %mul3A_42 = vector.broadcast %mul3A_41 : f32 to vector<1024x128xf32>
    %mul3A_43 = arith.mulf %mul3A_42, %slice3A_40 : vector<1024x128xf32>
    %sub3A_44 = arith.subf %add3A_39, %mul3A_43 : vector<1024x128xf32>
    %lt3A_45 = arith.cmpf olt, %sub3A_44, %select_n3A_35 : vector<1024x128xf32>
    %jit3A_46 = arith.constant 2 : i32
    %broadcast_in_dim3A_47 = vector.broadcast %jit3A_46 : i32 to vector<1024x128xi32>
    %select_n3A_48 = arith.select %lt3A_45, %broadcast_in_dim3A_47, %select_n3A : vector<1024x128xi1>, vector<1024x128xi32>
    %select_n3A_49 = arith.select %lt3A_45, %sub3A_44, %select_n3A_35 : vector<1024x128xi1>, vector<1024x128xf32>
    %slice3A_50 = vector.extract_strided_slice %broadcast_in_dim3A_14 {offsets = [0, 384], sizes = [1, 128], strides = [1, 1]} : vector<1x1024xf32> to vector<1x128xf32>
    %add3A_51 = vector.broadcast %broadcast_in_dim3A : vector<1024x1xf32> to vector<1024x128xf32>
    %add3A_52 = vector.broadcast %slice3A_50 : vector<1x128xf32> to vector<1024x128xf32>
    %add3A_53 = arith.addf %add3A_51, %add3A_52 : vector<1024x128xf32>
    %slice3A_54 = vector.extract_strided_slice %dot_general3A_15 {offsets = [0, 384], sizes = [1024, 128], strides = [1, 1]} : vector<1024x1024xf32> to vector<1024x128xf32>
    %mul3A_55 = arith.constant 2.000000e+00 : f32
    %mul3A_56 = vector.broadcast %mul3A_55 : f32 to vector<1024x128xf32>
    %mul3A_57 = arith.mulf %mul3A_56, %slice3A_54 : vector<1024x128xf32>
    %sub3A_58 = arith.subf %add3A_53, %mul3A_57 : vector<1024x128xf32>
    %lt3A_59 = arith.cmpf olt, %sub3A_58, %select_n3A_49 : vector<1024x128xf32>
    %jit3A_60 = arith.constant 3 : i32
    %broadcast_in_dim3A_61 = vector.broadcast %jit3A_60 : i32 to vector<1024x128xi32>
    %select_n3A_62 = arith.select %lt3A_59, %broadcast_in_dim3A_61, %select_n3A_48 : vector<1024x128xi1>, vector<1024x128xi32>
    %select_n3A_63 = arith.select %lt3A_59, %sub3A_58, %select_n3A_49 : vector<1024x128xi1>, vector<1024x128xf32>
    %slice3A_64 = vector.extract_strided_slice %broadcast_in_dim3A_14 {offsets = [0, 512], sizes = [1, 128], strides = [1, 1]} : vector<1x1024xf32> to vector<1x128xf32>
    %add3A_65 = vector.broadcast %broadcast_in_dim3A : vector<1024x1xf32> to vector<1024x128xf32>
    %add3A_66 = vector.broadcast %slice3A_64 : vector<1x128xf32> to vector<1024x128xf32>
    %add3A_67 = arith.addf %add3A_65, %add3A_66 : vector<1024x128xf32>
    %slice3A_68 = vector.extract_strided_slice %dot_general3A_15 {offsets = [0, 512], sizes = [1024, 128], strides = [1, 1]} : vector<1024x1024xf32> to vector<1024x128xf32>
    %mul3A_69 = arith.constant 2.000000e+00 : f32
    %mul3A_70 = vector.broadcast %mul3A_69 : f32 to vector<1024x128xf32>
    %mul3A_71 = arith.mulf %mul3A_70, %slice3A_68 : vector<1024x128xf32>
    %sub3A_72 = arith.subf %add3A_67, %mul3A_71 : vector<1024x128xf32>
    %lt3A_73 = arith.cmpf olt, %sub3A_72, %select_n3A_63 : vector<1024x128xf32>
    %jit3A_74 = arith.constant 4 : i32
    %broadcast_in_dim3A_75 = vector.broadcast %jit3A_74 : i32 to vector<1024x128xi32>
    %select_n3A_76 = arith.select %lt3A_73, %broadcast_in_dim3A_75, %select_n3A_62 : vector<1024x128xi1>, vector<1024x128xi32>
    %select_n3A_77 = arith.select %lt3A_73, %sub3A_72, %select_n3A_63 : vector<1024x128xi1>, vector<1024x128xf32>
    %slice3A_78 = vector.extract_strided_slice %broadcast_in_dim3A_14 {offsets = [0, 640], sizes = [1, 128], strides = [1, 1]} : vector<1x1024xf32> to vector<1x128xf32>
    %add3A_79 = vector.broadcast %broadcast_in_dim3A : vector<1024x1xf32> to vector<1024x128xf32>
    %add3A_80 = vector.broadcast %slice3A_78 : vector<1x128xf32> to vector<1024x128xf32>
    %add3A_81 = arith.addf %add3A_79, %add3A_80 : vector<1024x128xf32>
    %slice3A_82 = vector.extract_strided_slice %dot_general3A_15 {offsets = [0, 640], sizes = [1024, 128], strides = [1, 1]} : vector<1024x1024xf32> to vector<1024x128xf32>
    %mul3A_83 = arith.constant 2.000000e+00 : f32
    %mul3A_84 = vector.broadcast %mul3A_83 : f32 to vector<1024x128xf32>
    %mul3A_85 = arith.mulf %mul3A_84, %slice3A_82 : vector<1024x128xf32>
    %sub3A_86 = arith.subf %add3A_81, %mul3A_85 : vector<1024x128xf32>
    %lt3A_87 = arith.cmpf olt, %sub3A_86, %select_n3A_77 : vector<1024x128xf32>
    %jit3A_88 = arith.constant 5 : i32
    %broadcast_in_dim3A_89 = vector.broadcast %jit3A_88 : i32 to vector<1024x128xi32>
    %select_n3A_90 = arith.select %lt3A_87, %broadcast_in_dim3A_89, %select_n3A_76 : vector<1024x128xi1>, vector<1024x128xi32>
    %select_n3A_91 = arith.select %lt3A_87, %sub3A_86, %select_n3A_77 : vector<1024x128xi1>, vector<1024x128xf32>
    %slice3A_92 = vector.extract_strided_slice %broadcast_in_dim3A_14 {offsets = [0, 768], sizes = [1, 128], strides = [1, 1]} : vector<1x1024xf32> to vector<1x128xf32>
    %add3A_93 = vector.broadcast %broadcast_in_dim3A : vector<1024x1xf32> to vector<1024x128xf32>
    %add3A_94 = vector.broadcast %slice3A_92 : vector<1x128xf32> to vector<1024x128xf32>
    %add3A_95 = arith.addf %add3A_93, %add3A_94 : vector<1024x128xf32>
    %slice3A_96 = vector.extract_strided_slice %dot_general3A_15 {offsets = [0, 768], sizes = [1024, 128], strides = [1, 1]} : vector<1024x1024xf32> to vector<1024x128xf32>
    %mul3A_97 = arith.constant 2.000000e+00 : f32
    %mul3A_98 = vector.broadcast %mul3A_97 : f32 to vector<1024x128xf32>
    %mul3A_99 = arith.mulf %mul3A_98, %slice3A_96 : vector<1024x128xf32>
    %sub3A_100 = arith.subf %add3A_95, %mul3A_99 : vector<1024x128xf32>
    %lt3A_101 = arith.cmpf olt, %sub3A_100, %select_n3A_91 : vector<1024x128xf32>
    %jit3A_102 = arith.constant 6 : i32
    %broadcast_in_dim3A_103 = vector.broadcast %jit3A_102 : i32 to vector<1024x128xi32>
    %select_n3A_104 = arith.select %lt3A_101, %broadcast_in_dim3A_103, %select_n3A_90 : vector<1024x128xi1>, vector<1024x128xi32>
    %select_n3A_105 = arith.select %lt3A_101, %sub3A_100, %select_n3A_91 : vector<1024x128xi1>, vector<1024x128xf32>
    %slice3A_106 = vector.extract_strided_slice %broadcast_in_dim3A_14 {offsets = [0, 896], sizes = [1, 128], strides = [1, 1]} : vector<1x1024xf32> to vector<1x128xf32>
    %add3A_107 = vector.broadcast %broadcast_in_dim3A : vector<1024x1xf32> to vector<1024x128xf32>
    %add3A_108 = vector.broadcast %slice3A_106 : vector<1x128xf32> to vector<1024x128xf32>
    %add3A_109 = arith.addf %add3A_107, %add3A_108 : vector<1024x128xf32>
    %slice3A_110 = vector.extract_strided_slice %dot_general3A_15 {offsets = [0, 896], sizes = [1024, 128], strides = [1, 1]} : vector<1024x1024xf32> to vector<1024x128xf32>
    %mul3A_111 = arith.constant 2.000000e+00 : f32
    %mul3A_112 = vector.broadcast %mul3A_111 : f32 to vector<1024x128xf32>
    %mul3A_113 = arith.mulf %mul3A_112, %slice3A_110 : vector<1024x128xf32>
    %sub3A_114 = arith.subf %add3A_109, %mul3A_113 : vector<1024x128xf32>
    %lt3A_115 = arith.cmpf olt, %sub3A_114, %select_n3A_105 : vector<1024x128xf32>
    %jit3A_116 = arith.constant 7 : i32
    %broadcast_in_dim3A_117 = vector.broadcast %jit3A_116 : i32 to vector<1024x128xi32>
    %select_n3A_118 = arith.select %lt3A_115, %broadcast_in_dim3A_117, %select_n3A_104 : vector<1024x128xi1>, vector<1024x128xi32>
    %select_n3A_119 = arith.select %lt3A_115, %sub3A_114, %select_n3A_105 : vector<1024x128xi1>, vector<1024x128xf32>
    %iota3A = tpu.iota {dimensions = array<i32: 1>} : vector<1024x128xi32>
    %mul3A_120 = arith.constant 128 : i32
    %mul3A_121 = vector.broadcast %mul3A_120 : i32 to vector<1024x128xi32>
    %mul3A_122 = arith.muli %select_n3A_118, %mul3A_121 : vector<1024x128xi32>
    %add3A_123 = arith.addi %mul3A_122, %iota3A : vector<1024x128xi32>
    %reduce_min3A = arith.constant dense<0x7F800000> : vector<1024xf32>
    %reduce_min3A_124 = vector.multi_reduction <minimumf>, %select_n3A_119, %reduce_min3A [1] : vector<1024x128xf32> to vector<1024xf32>
    %broadcast_in_dim3A_125 = vector.shape_cast %reduce_min3A_124 : vector<1024xf32> to vector<1024x1xf32>
    %eq3A = vector.broadcast %broadcast_in_dim3A_125 : vector<1024x1xf32> to vector<1024x128xf32>
    %eq3A_126 = arith.cmpf oeq, %select_n3A_119, %eq3A : vector<1024x128xf32>
    %jit3A_127 = arith.constant 1024 : i32
    %broadcast_in_dim3A_128 = vector.broadcast %jit3A_127 : i32 to vector<1024x128xi32>
    %select_n3A_129 = arith.select %eq3A_126, %add3A_123, %broadcast_in_dim3A_128 : vector<1024x128xi1>, vector<1024x128xi32>
    %reduce_min3A_130 = arith.constant dense<2147483647> : vector<1024xi32>
    %reduce_min3A_131 = vector.multi_reduction <minsi>, %select_n3A_129, %reduce_min3A_130 [1] : vector<1024x128xi32> to vector<1024xi32>
    %broadcast_in_dim3A_132 = vector.shape_cast %reduce_min3A_131 : vector<1024xi32> to vector<1x1024xi32>
    %swap3A_133 = arith.constant 0 : index
    %swap3A_134 = arith.constant 0 : index
    %swap3A_135 = vector.load %arg5[%swap3A_133, %swap3A_134] : memref<1x1024xi32, #tpu.memory_space<vmem>>, vector<1x1024xi32>
    tpu.vector_store %arg5[%swap3A_133, %swap3A_134], %broadcast_in_dim3A_132 {strides = array<i32>} : memref<1x1024xi32, #tpu.memory_space<vmem>>, vector<1x1024xi32>,
    return
  }
  func.func @transform_0(%arg0: i32) -> (i32, i32) {
    %c0_i32 = arith.constant 0 : i32
    %c0_i32_0 = arith.constant 0 : i32
    return %arg0, %c0_i32 : i32, i32
  }
  func.func @transform_1(%arg0: i32) -> (i32, i32) {
    %c0_i32 = arith.constant 0 : i32
    %c0_i32_0 = arith.constant 0 : i32
    return %arg0, %c0_i32 : i32, i32
  }
  func.func @transform_2(%arg0: i32) -> (i32, i32) {
    %c0_i32 = arith.constant 0 : i32
    %c0_i32_0 = arith.constant 0 : i32
    %c0_i32_1 = arith.constant 0 : i32
    return %c0_i32, %c0_i32_0 : i32, i32
  }
  func.func @transform_3(%arg0: i32) -> (i32, i32) {
    %c0_i32 = arith.constant 0 : i32
    %c0_i32_0 = arith.constant 0 : i32
    return %arg0, %c0_i32 : i32, i32
  }
  func.func @transform_4(%arg0: i32) -> (i32, i32) {
    %c0_i32 = arith.constant 0 : i32
    %c0_i32_0 = arith.constant 0 : i32
    return %c0_i32, %arg0 : i32, i32
  }
}

module attributes {stable_mosaic.version = 14 : i64} {
  func.func @_combine_block(%arg0: i32, %arg1: memref<1024x64xf32, #tpu.memory_space<vmem>>, %arg2: memref<1024x128xf32, #tpu.memory_space<vmem>>, %arg3: memref<1024x128xf32, #tpu.memory_space<vmem>>, %arg4: memref<1024x128xf32, #tpu.memory_space<vmem>>, %arg5: memref<1024x128xf32, #tpu.memory_space<vmem>>, %arg6: memref<1024x64xf32, #tpu.memory_space<vmem>>, %arg7: memref<8x128xf32, #tpu.memory_space<vmem>>) attributes {dimension_semantics = [#tpu.dimension_semantics<arbitrary>], iteration_bounds = array<i64: 32>, scalar_prefetch = 0 : i64, scratch_operands = 0 : i64, tpu.core_type = #tpu.core_type<tc>, window_params = [{transform_indices = @transform_0, window_bounds = array<i64: 1024, 64>}, {transform_indices = @transform_1, window_bounds = array<i64: 1024, 128>}, {transform_indices = @transform_2, window_bounds = array<i64: 1024, 128>}, {transform_indices = @transform_3, window_bounds = array<i64: 1024, 128>}, {transform_indices = @transform_4, window_bounds = array<i64: 1024, 128>}, {transform_indices = @transform_5, window_bounds = array<i64: 1024, 64>}, {pipeline_mode = #tpu.pipeline_mode<synchronous>, transform_indices = @transform_6, window_bounds = array<i64: 8, 128>}]} {
    %get3A = arith.constant 0 : index
    %get3A_0 = arith.constant 0 : index
    %get3A_1 = vector.load %arg1[%get3A, %get3A_0] : memref<1024x64xf32, #tpu.memory_space<vmem>>, vector<1024x64xf32>
    %broadcast_in_dim3A = arith.constant 0.000000e+00 : f32
    %broadcast_in_dim3A_2 = vector.broadcast %broadcast_in_dim3A : f32 to vector<1024x64xf32>
    %broadcast_in_dim3A_3 = arith.constant 0.000000e+00 : f32
    %broadcast_in_dim3A_4 = vector.broadcast %broadcast_in_dim3A_3 : f32 to vector<1x1xf32>
    %get3A_5 = arith.constant 0 : index
    %get3A_6 = arith.constant 0 : index
    %get3A_7 = vector.load %arg2[%get3A_5, %get3A_6] : memref<1024x128xf32, #tpu.memory_space<vmem>>, vector<1024x64xf32>
    %sub3A = arith.subf %get3A_1, %get3A_7 : vector<1024x64xf32>
    %mul3A = arith.mulf %sub3A, %sub3A : vector<1024x64xf32>
    %reduce_sum3A = vector.shape_cast %mul3A : vector<1024x64xf32> to vector<1x1024x64xf32>
    %reduce_sum3A_8 = arith.constant dense<0.000000e+00> : vector<1xf32>
    %reduce_sum3A_9 = vector.multi_reduction <add>, %reduce_sum3A, %reduce_sum3A_8 [1, 2] : vector<1x1024x64xf32> to vector<1xf32>
    %reduce_sum3A_10 = vector.shape_cast %reduce_sum3A_9 : vector<1xf32> to vector<1x1x1xf32>
    %reduce_sum3A_11 = vector.extract %reduce_sum3A_10[0, 0, 0] : f32 from vector<1x1x1xf32>
    %broadcast_in_dim3A_12 = vector.broadcast %reduce_sum3A_11 : f32 to vector<1x1xf32>
    %add3A = arith.addf %broadcast_in_dim3A_4, %broadcast_in_dim3A_12 : vector<1x1xf32>
    %add3A_13 = arith.addf %broadcast_in_dim3A_2, %get3A_7 : vector<1024x64xf32>
    %get3A_14 = arith.constant 0 : index
    %get3A_15 = arith.constant 0 : index
    %get3A_16 = vector.load %arg3[%get3A_14, %get3A_15] : memref<1024x128xf32, #tpu.memory_space<vmem>>, vector<1024x64xf32>
    %sub3A_17 = arith.subf %sub3A, %get3A_16 : vector<1024x64xf32>
    %mul3A_18 = arith.mulf %sub3A_17, %sub3A_17 : vector<1024x64xf32>
    %reduce_sum3A_19 = vector.shape_cast %mul3A_18 : vector<1024x64xf32> to vector<1x1024x64xf32>
    %reduce_sum3A_20 = arith.constant dense<0.000000e+00> : vector<1xf32>
    %reduce_sum3A_21 = vector.multi_reduction <add>, %reduce_sum3A_19, %reduce_sum3A_20 [1, 2] : vector<1x1024x64xf32> to vector<1xf32>
    %reduce_sum3A_22 = vector.shape_cast %reduce_sum3A_21 : vector<1xf32> to vector<1x1x1xf32>
    %reduce_sum3A_23 = vector.extract %reduce_sum3A_22[0, 0, 0] : f32 from vector<1x1x1xf32>
    %broadcast_in_dim3A_24 = vector.broadcast %reduce_sum3A_23 : f32 to vector<1x1xf32>
    %add3A_25 = arith.addf %add3A, %broadcast_in_dim3A_24 : vector<1x1xf32>
    %add3A_26 = arith.addf %add3A_13, %get3A_16 : vector<1024x64xf32>
    %get3A_27 = arith.constant 0 : index
    %get3A_28 = arith.constant 0 : index
    %get3A_29 = vector.load %arg4[%get3A_27, %get3A_28] : memref<1024x128xf32, #tpu.memory_space<vmem>>, vector<1024x64xf32>
    %sub3A_30 = arith.subf %sub3A_17, %get3A_29 : vector<1024x64xf32>
    %mul3A_31 = arith.mulf %sub3A_30, %sub3A_30 : vector<1024x64xf32>
    %reduce_sum3A_32 = vector.shape_cast %mul3A_31 : vector<1024x64xf32> to vector<1x1024x64xf32>
    %reduce_sum3A_33 = arith.constant dense<0.000000e+00> : vector<1xf32>
    %reduce_sum3A_34 = vector.multi_reduction <add>, %reduce_sum3A_32, %reduce_sum3A_33 [1, 2] : vector<1x1024x64xf32> to vector<1xf32>
    %reduce_sum3A_35 = vector.shape_cast %reduce_sum3A_34 : vector<1xf32> to vector<1x1x1xf32>
    %reduce_sum3A_36 = vector.extract %reduce_sum3A_35[0, 0, 0] : f32 from vector<1x1x1xf32>
    %broadcast_in_dim3A_37 = vector.broadcast %reduce_sum3A_36 : f32 to vector<1x1xf32>
    %add3A_38 = arith.addf %add3A_25, %broadcast_in_dim3A_37 : vector<1x1xf32>
    %add3A_39 = arith.addf %add3A_26, %get3A_29 : vector<1024x64xf32>
    %get3A_40 = arith.constant 0 : index
    %get3A_41 = arith.constant 0 : index
    %get3A_42 = vector.load %arg5[%get3A_40, %get3A_41] : memref<1024x128xf32, #tpu.memory_space<vmem>>, vector<1024x64xf32>
    %sub3A_43 = arith.subf %sub3A_30, %get3A_42 : vector<1024x64xf32>
    %mul3A_44 = arith.mulf %sub3A_43, %sub3A_43 : vector<1024x64xf32>
    %reduce_sum3A_45 = vector.shape_cast %mul3A_44 : vector<1024x64xf32> to vector<1x1024x64xf32>
    %reduce_sum3A_46 = arith.constant dense<0.000000e+00> : vector<1xf32>
    %reduce_sum3A_47 = vector.multi_reduction <add>, %reduce_sum3A_45, %reduce_sum3A_46 [1, 2] : vector<1x1024x64xf32> to vector<1xf32>
    %reduce_sum3A_48 = vector.shape_cast %reduce_sum3A_47 : vector<1xf32> to vector<1x1x1xf32>
    %reduce_sum3A_49 = vector.extract %reduce_sum3A_48[0, 0, 0] : f32 from vector<1x1x1xf32>
    %broadcast_in_dim3A_50 = vector.broadcast %reduce_sum3A_49 : f32 to vector<1x1xf32>
    %add3A_51 = arith.addf %add3A_38, %broadcast_in_dim3A_50 : vector<1x1xf32>
    %add3A_52 = arith.addf %add3A_39, %get3A_42 : vector<1024x64xf32>
    %sub3A_53 = arith.subf %add3A_52, %get3A_1 : vector<1024x64xf32>
    %add3A_54 = arith.addf %get3A_1, %sub3A_53 : vector<1024x64xf32>
    %swap3A = arith.constant 0 : index
    %swap3A_55 = arith.constant 0 : index
    %swap3A_56 = vector.load %arg6[%swap3A, %swap3A_55] : memref<1024x64xf32, #tpu.memory_space<vmem>>, vector<1024x64xf32>
    tpu.vector_store %arg6[%swap3A, %swap3A_55], %add3A_54 {strides = array<i32>} : memref<1024x64xf32, #tpu.memory_space<vmem>>, vector<1024x64xf32>,
    %eq3A = arith.constant 0 : i32
    %eq3A_57 = arith.cmpi eq, %arg0, %eq3A : i32
    %convert_element_type3A = arith.extui %eq3A_57 : i1 to i32
    %cond3A = arith.constant 0 : i32
    %cond3A_58 = arith.cmpi ne, %convert_element_type3A, %cond3A : i32
    scf.if %cond3A_58 {
      %broadcast_in_dim3A_73 = arith.constant 0.000000e+00 : f32
      %broadcast_in_dim3A_74 = vector.broadcast %broadcast_in_dim3A_73 : f32 to vector<8x128xf32>
      %swap3A_75 = arith.constant 0 : index
      %swap3A_76 = arith.constant 0 : index
      %swap3A_77 = vector.load %arg7[%swap3A_75, %swap3A_76] : memref<8x128xf32, #tpu.memory_space<vmem>>, vector<8x128xf32>
      tpu.vector_store %arg7[%swap3A_75, %swap3A_76], %broadcast_in_dim3A_74 {strides = array<i32>} : memref<8x128xf32, #tpu.memory_space<vmem>>, vector<8x128xf32>,
    } else {
    }
    %get3A_59 = arith.constant 0 : index
    %get3A_60 = arith.constant 0 : index
    %get3A_61 = vector.load %arg7[%get3A_59, %get3A_60] : memref<8x128xf32, #tpu.memory_space<vmem>>, vector<8x128xf32>
    %broadcast_in_dim3A_62 = vector.shape_cast %add3A_51 : vector<1x1xf32> to vector<1x1xf32>
    %broadcast_in_dim3A_63 = vector.broadcast %broadcast_in_dim3A_62 : vector<1x1xf32> to vector<8x128xf32>
    %add3A_64 = arith.addf %get3A_61, %broadcast_in_dim3A_63 : vector<8x128xf32>
    %swap3A_65 = arith.constant 0 : index
    %swap3A_66 = arith.constant 0 : index
    %swap3A_67 = vector.load %arg7[%swap3A_65, %swap3A_66] : memref<8x128xf32, #tpu.memory_space<vmem>>, vector<8x128xf32>
    tpu.vector_store %arg7[%swap3A_65, %swap3A_66], %add3A_64 {strides = array<i32>} : memref<8x128xf32, #tpu.memory_space<vmem>>, vector<8x128xf32>,
    %eq3A_68 = arith.constant 31 : i32
    %eq3A_69 = arith.cmpi eq, %arg0, %eq3A_68 : i32
    %convert_element_type3A_70 = arith.extui %eq3A_69 : i1 to i32
    %cond3A_71 = arith.constant 0 : i32
    %cond3A_72 = arith.cmpi ne, %convert_element_type3A_70, %cond3A_71 : i32
    scf.if %cond3A_72 {
      %get3A_73 = arith.constant 0 : index
      %get3A_74 = arith.constant 0 : index
      %get3A_75 = vector.load %arg7[%get3A_73, %get3A_74] : memref<8x128xf32, #tpu.memory_space<vmem>>, vector<8x128xf32>
      %mul3A_76 = arith.constant 1.1920929E-7 : f32
      %mul3A_77 = vector.broadcast %mul3A_76 : f32 to vector<8x128xf32>
      %mul3A_78 = arith.mulf %get3A_75, %mul3A_77 : vector<8x128xf32>
      %swap3A_79 = arith.constant 0 : index
      %swap3A_80 = arith.constant 0 : index
      %swap3A_81 = vector.load %arg7[%swap3A_79, %swap3A_80] : memref<8x128xf32, #tpu.memory_space<vmem>>, vector<8x128xf32>
      tpu.vector_store %arg7[%swap3A_79, %swap3A_80], %mul3A_78 {strides = array<i32>} : memref<8x128xf32, #tpu.memory_space<vmem>>, vector<8x128xf32>,
    } else {
    }
    return
  }
  func.func @transform_0(%arg0: i32) -> (i32, i32) {
    %c0_i32 = arith.constant 0 : i32
    %c0_i32_0 = arith.constant 0 : i32
    return %arg0, %c0_i32 : i32, i32
  }
  func.func @transform_1(%arg0: i32) -> (i32, i32) {
    %c0_i32 = arith.constant 0 : i32
    %c0_i32_0 = arith.constant 0 : i32
    return %arg0, %c0_i32 : i32, i32
  }
  func.func @transform_2(%arg0: i32) -> (i32, i32) {
    %c0_i32 = arith.constant 0 : i32
    %c0_i32_0 = arith.constant 0 : i32
    return %arg0, %c0_i32 : i32, i32
  }
  func.func @transform_3(%arg0: i32) -> (i32, i32) {
    %c0_i32 = arith.constant 0 : i32
    %c0_i32_0 = arith.constant 0 : i32
    return %arg0, %c0_i32 : i32, i32
  }
  func.func @transform_4(%arg0: i32) -> (i32, i32) {
    %c0_i32 = arith.constant 0 : i32
    %c0_i32_0 = arith.constant 0 : i32
    return %arg0, %c0_i32 : i32, i32
  }
  func.func @transform_5(%arg0: i32) -> (i32, i32) {
    %c0_i32 = arith.constant 0 : i32
    %c0_i32_0 = arith.constant 0 : i32
    return %arg0, %c0_i32 : i32, i32
  }
  func.func @transform_6(%arg0: i32) -> (i32, i32) {
    %c0_i32 = arith.constant 0 : i32
    %c0_i32_0 = arith.constant 0 : i32
    %c0_i32_1 = arith.constant 0 : i32
    return %c0_i32, %c0_i32_0 : i32, i32
  }
}

</mosaic_0001>

<sc_bundles>
// kernel: kernel.11.cloned.1.call-start
scs
__scs_entry_jumppad:
0x0: {  	(pc) =	sbr.rel $0x88, $3  }
0x1: {  	(tag) =	ssettag $0x0;
	lr =	simm.s32 $0x1  }
0x2: {  	[smem:$0x3F9F] =	sst lr;
	_ =	strace $0xD0000000  }
0x3: {  	_ = 	snop  }
0x4: {  	_ = 	snop  }
0x5: {  	_ = 	snop  }
0x6: {  	_ = 	snop  }
0x7: {  	_ = 	snop  }
__scs_overlays_trampoline_lowered:
0x8: {  	[smem:$0x3FAE] =	sst s0  }
0x9: {  	[smem:$0x3FAF] =	sst s1  }
0xa: {  	[smem:$0x3FB0] =	sst s2  }
0xb: {  	[smem:$0x3FB1] =	sst s3  }
0xc: {  	[smem:$0x3FB2] =	sst s4  }
0xd: {  	[smem:$0x3FB3] =	sst s5  }
0xe: {  	[smem:$0x3FB4] =	sst s6  }
0xf: {  	[smem:$0x3FB5] =	sst s7  }
0x10: {  	[smem:$0x3FB6] =	sst s8  }
0x11: {  	[smem:$0x3FB7] =	sst s9;
	s0 =	simm.s32 @!p0 $0x0  }
0x12: {  	s1 =	sld [smem:$0x3F9D];
	s0 =	simm.s32 @p0 $0x1  }
0x13: {  	[smem:$0x3FB8] =	sst s0;
	s0 =	simm.s32 @!p1 $0x0  }
0x14: {  	s2 =	sld [smem:$0x3F9C];
	s0 =	simm.s32 @p1 $0x1  }
0x15: {  	[smem:$0x3FB9] =	sst s0;
	s0 =	simm.s32 @!p2 $0x0  }
0x16: {  	s3 =	sld [smem:$0x3FDB];
	s0 =	simm.s32 @p2 $0x1  }
0x17: {  	s4 =	simm.s32 $0x1BF5;
	[smem:$0x3FBB] =	sst s0  }
0x18: {  	s0 =	sld [smem:$0x3F9E];
	_ =	swait.ge [sflag:s4], $0x0  }
0x19: {  	s7 =	sld [smem:$0x3F9F]  }
0x1a: {  	s8 =	sadd.s32 $0xFFFFE003, lr  }
0x1b: {  	s9 =	sadd.s32 $0xFFFFFEF7, lr;
	s5 =	simm.s32 $0xFFFFFFFF;
	p2 =	slt.u32 s8, $0xFFFFF086  }
0x1c: {  	p1 =	slt.u32 s9, $0xF7A;
	s5 =	simm.s32 @!p2 $0x0  }
0x1d: {  	s5 =	simm.s32 @p1 $0x1;
	p0 =	seq.s32 s7, s2  }
0x1e: {  	s7 =	smul.u32 @!p0 $0xF7A, s2;
	p2 =	seq.s32 @!p0 s5, $0x0  }
0x1f: {  	s9 =	smul.u32 $0xF7A, s1;
	s8 =	simm.s32 @!p0 $0x1BF5;
	p2 =	por !p2, p0  }
0x20: {  	[sflag:s8] =	ssyncset.s32 @!p0 $0xFFFFF086;
	s6 =	sadd.s32 @!p0 s3, s7;
	s7 =	simm.s32 @!p0 $0x108  }
0x21: {  	s3 =	sadd.s32 s3, s9;
	s6 =	sadd.s32 @!p0 $0x88, s6;
	s7 =	simm.s32 @p2 $0x1082  }
0x22: {  	[simem:s7], [sflag:s8] =	dma.local @!p0 [hbm:s6], $0xF7A  }
0x23: {  	s9 =	sor.u32 $0xD0000000, s2;
	s6 =	simm.s32 $0x108;
	_ =	swait.ge @!p0 [sflag:s8], $0x0  }
0x24: {  	s3 =	sadd.s32 $0x88, s3;
	s6 =	simm.s32 @!p1 $0x1082;
	[sflag:s4] =	ssyncset.s32 $0xFFFFF086  }
0x25: {  	[simem:s6], [sflag:s4] =	dma.local [hbm:s3], $0xF7A  }
0x26: {  	[smem:$0x3F9F] =	sst s1;
	(tag) =	ssettag s2;
	_ =	strace s9  }
0x27: {  	s1 =	sld [smem:$0x3FAF]  }
0x28: {  	s2 =	sld [smem:$0x3FB0]  }
0x29: {  	s4 =	sld [smem:$0x3FB2]  }
0x2a: {  	p0 =	seq.s32 s5, $0x0;
	s5 =	sld [smem:$0x3FB3]  }
0x2b: {  	s6 =	sld [smem:$0x3FB4]  }
0x2c: {  	s7 =	sld [smem:$0x3FB5]  }
0x2d: {  	s3 =	simm.s32 $0x108;
	s8 =	sld [smem:$0x3FB6]  }
0x2e: {  	s3 =	simm.s32 @!p0 $0x1082;
	s9 =	sld [smem:$0x3FB7]  }
0x2f: {  	lr =	sadd.s32 s0, s3;
	s0 =	sld [smem:$0x3FAE]  }
0x30: {  	s3 =	sld [smem:$0x3FB1]  }
0x31: {  	[smem:$0x3FBA] =	sst s10  }
0x32: {  	s10 =	sld [smem:$0x3FB8];
	_ =	sdelay $0x3  }
0x33: {  	p0 =	seq.s32 s10, $0x1;
	s10 =	sld [smem:$0x3FBA];
	_ =	sdelay $0x3  }
0x34: {  	[smem:$0x3FBA] =	sst s10  }
0x35: {  	s10 =	sld [smem:$0x3FB9];
	_ =	sdelay $0x3  }
0x36: {  	p1 =	seq.s32 s10, $0x1;
	s10 =	sld [smem:$0x3FBA];
	_ =	sdelay $0x3  }
0x37: {  	[smem:$0x3FBA] =	sst s10  }
0x38: {  	s10 =	sld [smem:$0x3FBB]  }
0x39: {  	_ = 	snop;
	(pc) =	sbr.ind lr, $3  }
0x3a: {  	_ = 	snop  }
0x3b: {  	_ = 	snop  }
0x3c: {  	p2 =	seq.s32 s10, $0x1;
	s10 =	sld [smem:$0x3FBA]  }
0x3d: {  	_ =	shalt  }
0x3e: {  	_ =	shalt  }
0x3f: {  	_ =	shalt  }
0x40: {  	_ =	shalt  }
0x41: {  	_ =	shalt  }
0x42: {  	_ =	shalt  }
0x43: {  	_ =	shalt  }
0x44: {  	_ =	shalt  }
0x45: {  	_ =	shalt  }
0x46: {  	_ =	shalt  }
0x47: {  	_ =	shalt  }
0x48: {  	_ =	shalt  }
0x49: {  	_ =	shalt  }
0x4a: {  	_ =	shalt  }
0x4b: {  	_ =	shalt  }
0x4c: {  	_ =	shalt  }
0x4d: {  	_ =	shalt  }
0x4e: {  	_ =	shalt  }
0x4f: {  	_ =	shalt  }
0x50: {  	_ =	shalt  }
0x51: {  	_ =	shalt  }
0x52: {  	_ =	shalt  }
0x53: {  	_ =	shalt  }
0x54: {  	_ =	shalt  }
0x55: {  	_ =	shalt  }
0x56: {  	_ =	shalt  }
0x57: {  	_ =	shalt  }
0x58: {  	_ =	shalt  }
0x59: {  	_ =	shalt  }
0x5a: {  	_ =	shalt  }
0x5b: {  	_ =	shalt  }
0x5c: {  	_ =	shalt  }
0x5d: {  	_ =	shalt  }
0x5e: {  	_ =	shalt  }
0x5f: {  	_ =	shalt  }
0x60: {  	_ =	shalt  }
0x61: {  	_ =	shalt  }
0x62: {  	_ =	shalt  }
0x63: {  	_ =	shalt  }
0x64: {  	_ =	shalt  }
0x65: {  	_ =	shalt  }
0x66: {  	_ =	shalt  }
0x67: {  	_ =	shalt  }
0x68: {  	_ =	shalt  }
0x69: {  	_ =	shalt  }
0x6a: {  	_ =	shalt  }
0x6b: {  	_ =	shalt  }
0x6c: {  	_ =	shalt  }
0x6d: {  	_ =	shalt  }
0x6e: {  	_ =	shalt  }
0x6f: {  	_ =	shalt  }
0x70: {  	_ =	shalt  }
0x71: {  	_ =	shalt  }
0x72: {  	_ =	shalt  }
0x73: {  	_ =	shalt  }
0x74: {  	_ =	shalt  }
0x75: {  	_ =	shalt  }
0x76: {  	_ =	shalt  }
0x77: {  	_ =	shalt  }
0x78: {  	_ =	shalt  }
0x79: {  	_ =	shalt  }
0x7a: {  	_ =	shalt  }
0x7b: {  	_ =	shalt  }
0x7c: {  	_ =	shalt  }
0x7d: {  	_ =	shalt  }
0x7e: {  	_ =	shalt  }
0x7f: {  	_ =	shalt  }
0x80: {  	_ =	shalt  }
0x81: {  	_ =	shalt  }
0x82: {  	_ =	shalt  }
0x83: {  	_ =	shalt  }
0x84: {  	_ =	shalt  }
0x85: {  	_ =	shalt  }
0x86: {  	_ =	shalt  }
0x87: {  	_ =	shalt  }
.Lfunc_end0:
.L_simem_size_0:
called_computation_lowered:
.L_overlay_start_0:
0x88: {  	s2 =	sld [smem:$0x3FD9]  }
0x89: {  	s3 =	sld [smem:$0x3FFE];
	_ =	sdelay $0x1  }
0x8a: {  	s1 =	srdreg.scid  }
0x8b: {  	s0 =	sand.u32 $0x1, s1  }
0x8c: {  	s16 =	sshll.u32 s0, $0xA;
	s2 =	sadd.s32 s3, s2  }
0x8d: {  	s2 =	sadd.s32 s2, s16  }
0x8e: {  	[smem:$0x3FC6] =	sst s2  }
0x8f: {  	_ = 	snop  }
0x90: {  	(tm) =	ssettm $0x1  }
0x91: {  	s17 =	sld [smem:$0x3FFB];
	_ =	sdelay $0x3  }
0x92: {  	_ =	strace s17  }
0x93: {  	s2 =	sld [smem:$0x3FFC];
	_ =	sdelay $0x3  }
0x94: {  	_ =	strace s2  }
0x95: {  	s2 =	sld [smem:$0x3FFD];
	_ =	sdelay $0x3  }
0x96: {  	_ =	strace s2  }
0x97: {  	_ =	strace $0x8FFFFFFF  }
0x98: {  	s18 =	sld [smem:$0x3FDB];
	_ =	sdelay $0x1  }
0x99: {  	s19 =	simm.s32 $_scs_section_size  }
0x9a: {  	s4 =	simm.s32 $_size__tile_overlayer_lowered;
	s5 =	simm.s32 $_tile_overlayer_lowered  }
0x9b: {  	s22 =	simm.s32 $0x1BFF;
	s21 =	sshll.u32 s5, $0x1;
	s2 =	sadd.s32 s19, s18  }
0x9c: {  	s6 =	simm.s32 $0x0;
	s20 =	sshll.u32 s4, $0x1;
	s4 =	sadd.s32 s21, s2  }
0x9d: {  	[timem:s6], [sflag:s22] =	dma.local [hbm:s4], s20  }
0x9e: {  	_ =	swait.ge [sflag:s22], s20  }
0x9f: {  	s3 =	ssub.s32 $0x0, s20;
	[sflag:s22] =	ssyncset.done $0x0  }
0xa0: {  	[sflag:s22] =	ssyncadd.s32 s3;
	_ =	sdelay $0x1  }
0xa1: {  	s23 =	simm.s32 $0x1B8B  }
0xa2: {  	_ =	swait.ge [sflag:s23], $0x1  }
0xa3: {  	[sflag:s23] =	ssyncset.done $0x0  }
0xa4: {  	s25 =	simm.s32 $0x1B8E;
	s24 =	sld [smem:$0x3FFE];
	[sflag:s23] =	ssyncadd.s32 $0xFFFFFFFF  }
0xa5: {  	s26 =	simm.s32 $execute0_lowered;
	[smem:$0x3FD2] =	sst s25  }
0xa6: {  	s4 =	sshll.u32 s26, $0x1;
	_ =	strace $0x80000046;
	[dreg:$0x1] =	wrdreg $0xFFFFFFFF  }
0xa7: {  	s28 =	simm.s32 $_size_execute0_lowered;
	s2 =	sadd.s32 s2, s4;
	[dreg:$0x0] =	wrdreg $0x0  }
0xa8: {  	s4 =	sshll.u32 s28, $0x1;
	[dreg:$0x2] =	wrdreg s2  }
0xa9: {  	[dreg:$0x3] =	wrdreg s4  }
0xaa: {  	[dreg:$0x4] =	wrdreg $0xC0  }
0xab: {  	_ =	task [dreg:s6], $0x5FFFF  }
0xac: {  	[dreg:$0x1] =	wrdreg $0xFFFFFFFF  }
0xad: {  	[dreg:$0x0] =	wrdreg $0x60  }
0xae: {  	[dreg:$0x2] =	wrdreg s24  }
0xaf: {  	[dreg:$0x3] =	wrdreg $0x9  }
0xb0: {  	_ =	task.clear_ibuf [dreg:s6], $0x4FFFF;
	_ =	strace $0x90000046  }
0xb1: {  	s29 =	simm.s32 $0x9;
	_ =	strace $0x80000048  }
0xb2: {  	_ =	swait.ge [sflag:s29], $0x1  }
0xb3: {  	[sflag:s29] =	ssyncadd.s32 $0xFFFFFFFF  }
0xb4: {  	_ =	strace $0x90000048  }
0xb5: {  	_ =	sfence  }
0xb6: {  	s30 =	sld [smem:$0x0];
	_ =	sdelay $0x2  }
0xb7: {  	s31 =	sshll.u32 s1, $0xD;
	s1 =	sshrl.u32 s1, $0x2  }
0xb8: {  	s3 =	sand.u32 $0x4000, s31;
	s1 =	sadd.s32 s1, s30  }
0xb9: {  	s0 =	sor.u32 s3, s0;
	s1 =	sshll.u32 s1, $0x11  }
0xba: {  	s0 =	sor.u32 s1, s0  }
0xbb: {  	s0 =	sadd.s32 $0x8F2B, s0  }
0xbc: {  	[sflag:s0] =	ssyncadd.remote.s32 $0x1  }
0xbd: {  	_ =	sfence.sel $0xFFFF  }
0xbe: {  	[dreg:$0x0] =	wrdreg $0xFFFFFFFF;
	(pc) =	sbr.abs _section_cstart, $3  }
0xbf: {  	[dreg:$0x1] =	wrdreg $0xFFFFFFFF  }
0xc0: {  	_ =	task.clear_ibuf [dreg:s6], $0x2FFFF;
	_ =	strace $0x9FFFFFFF  }
0xc1: {  	(tm) =	ssettm $0x7FFFFFFF  }
tec
execute0_lowered:
.L_overlay_start_1:
0x0: {  	(tag) =	ssettag $0x1  }
0x1: {  	s1 =	srdreg.scid  }
0x2: {  	s0 =	stileid.u32;
	s10 =	sand.u32 $0x1, s1  }
0x3: {  	s8 =	rddreg [dreg:$0x0];
	s3 =	sshll.u32 s0, $0xB;
	s4 =	sshll.u32 s10, $0xA  }
0x4: {  	s2 =	simm.s32 $0x0;
	s1 =	rddreg [dreg:$0x1];
	s9 =	sor.u32 s4, s3  }
0x5: {  	[smem:$0x7FF] =	sst s2;
	s11 =	sadd.s32 $0x8B400, s8;
	s3 =	sshrl.u32 s9, $0x3  }
0x6: {  	_ =	strace $0x80000047;
	s4 =	sadd.s32 s11, s3;
	s3 =	simm.s32 $0x2  }
0x7: {  	[tilespmem:s2], [sflag:$0x2] =	stream.linear.gather [hbm4b:s4+s2], $0x200, $0x38;
	[tilespmem:$0x10200] =	vst v63  }
0x8: {  	_ =	swait.ge [sflag:s3], $0x200  }
0x9: {  	s6 =	simm.s32 $0x200;
	[sflag:s3] =	ssyncset.done $0x0  }
0xa: {  	s7 =	simm.s32 $0x1;
	s5 =	sadd.s32 $0x3400, s8;
	[sflag:s3] =	ssyncadd.s32 $0xFFFFFE00  }
0xb: {  	[tilespmem:s6], [sflag:$0x1] =	stream.indirect.gather [hbm4b:s5+s6], $0x80, s2, s6, $0xb8;
	[tilespmem:$0x10200] =	vst v63  }
0xc: {  	_ =	swait.ge [sflag:s7], $0x10000  }
0xd: {  	s12 =	sadd.s32 $0x8C400, s8;
	s29 =	sshll.u32 s9, $0x4;
	[sflag:s7] =	ssyncset.done $0x0  }
0xe: {  	s8 =	sadd.s32 s12, s29;
	[sflag:s7] =	ssyncadd.s32 $0xFFFF0000  }
0xf: {  	[hbm4b:s8+s2] =	stream.linear.scatter [tilespmem:s6], [sflag:$0x2], $0x10000, $0x38;
	[tilespmem:$0x10200] =	vst v63  }
0x10: {  	s13 =	sor.u32 $0x200, s9;
	_ =	swait.ge [sflag:s3], $0x10000  }
0x11: {  	s9 =	sshrl.u32 s13, $0x3;
	[sflag:s3] =	ssyncset.done $0x0  }
0x12: {  	s10 =	ssub.s32 $0x2, s10;
	s9 =	sadd.s32 s11, s9;
	[sflag:s3] =	ssyncadd.s32 $0xFFFF0000  }
0x13: {  	[tilespmem:s2], [sflag:$0x2] =	stream.linear.gather [hbm4b:s9+s2], $0x200, $0x38;
	[tilespmem:$0x10200] =	vst v63  }
0x14: {  	s30 =	sshrl.u32 s10, $0x1;
	_ =	swait.ge [sflag:s3], $0x200  }
0x15: {  	s11 =	ssub.s32 s10, s30;
	[sflag:s3] =	ssyncset.done $0x0  }
0x16: {  	s11 =	smax.u32 s11, $0x1;
	[sflag:s3] =	ssyncadd.s32 $0xFFFFFE00  }
0x17: {  	[tilespmem:s6], [sflag:$0x1] =	stream.indirect.gather [hbm4b:s5+s6], $0x80, s2, s6, $0xb8;
	[tilespmem:$0x10200] =	vst v63  }
0x18: {  	p0 =	sne.s32 s11, $0x1;
	_ =	swait.ge [sflag:s7], $0x10000  }
.Ltmp0:
0x19: {  	s31 =	sshll.u32 s13, $0x4;
	[sflag:s7] =	ssyncset.done $0x0;
	(pc) =	sbr.rel @!p0 .LBB2_2-.Ltmp0, $4  }
0x1a: {  	s10 =	sadd.s32 s12, s31;
	[sflag:s7] =	ssyncadd.s32 $0xFFFF0000  }
0x1b: {  	[hbm4b:s10+s2] =	stream.linear.scatter [tilespmem:s6], [sflag:$0x2], $0x10000, $0x38;
	[tilespmem:$0x10200] =	vst v63  }
0x1c: {  	_ =	swait.ge [sflag:s3], $0x10000  }
0x1d: {  	s11 =	sadd.s32 $0xFFFFFFFF, s11;
	[sflag:s3] =	ssyncset.done $0x0  }
.LBB2_1:
0x1e: {  	p0 =	sne.s32 s11, $0x1;
	s11 =	sadd.s32 $0xFFFFFFFF, s11;
	[sflag:s3] =	ssyncadd.s32 $0xFFFF0000  }
0x1f: {  	[tilespmem:s2], [sflag:$0x2] =	stream.linear.gather [hbm4b:s4+s2], $0x200, $0x38;
	[tilespmem:$0x10200] =	vst v63  }
0x20: {  	_ =	swait.ge [sflag:s3], $0x200  }
0x21: {  	[sflag:s3] =	ssyncset.done $0x0  }
0x22: {  	[sflag:s3] =	ssyncadd.s32 $0xFFFFFE00  }
0x23: {  	[tilespmem:s6], [sflag:$0x1] =	stream.indirect.gather [hbm4b:s5+s6], $0x80, s2, s6, $0xb8;
	[tilespmem:$0x10200] =	vst v63  }
0x24: {  	_ =	swait.ge [sflag:s7], $0x10000  }
0x25: {  	[sflag:s7] =	ssyncset.done $0x0  }
0x26: {  	[sflag:s7] =	ssyncadd.s32 $0xFFFF0000  }
0x27: {  	[hbm4b:s8+s2] =	stream.linear.scatter [tilespmem:s6], [sflag:$0x2], $0x10000, $0x38;
	[tilespmem:$0x10200] =	vst v63  }
0x28: {  	_ =	swait.ge [sflag:s3], $0x10000  }
0x29: {  	[sflag:s3] =	ssyncset.done $0x0  }
0x2a: {  	[sflag:s3] =	ssyncadd.s32 $0xFFFF0000  }
0x2b: {  	[tilespmem:s2], [sflag:$0x2] =	stream.linear.gather [hbm4b:s9+s2], $0x200, $0x38;
	[tilespmem:$0x10200] =	vst v63  }
0x2c: {  	_ =	swait.ge [sflag:s3], $0x200  }
0x2d: {  	[sflag:s3] =	ssyncset.done $0x0  }
0x2e: {  	[sflag:s3] =	ssyncadd.s32 $0xFFFFFE00  }
0x2f: {  	[tilespmem:s6], [sflag:$0x1] =	stream.indirect.gather [hbm4b:s5+s6], $0x80, s2, s6, $0xb8;
	[tilespmem:$0x10200] =	vst v63  }
0x30: {  	_ =	swait.ge [sflag:s7], $0x10000  }
.Ltmp1:
0x31: {  	[sflag:s7] =	ssyncset.done $0x0;
	(pc) =	sbr.rel @p0 .LBB2_1-.Ltmp1, $4  }
0x32: {  	[sflag:s7] =	ssyncadd.s32 $0xFFFF0000  }
0x33: {  	[hbm4b:s10+s2] =	stream.linear.scatter [tilespmem:s6], [sflag:$0x2], $0x10000, $0x38;
	[tilespmem:$0x10200] =	vst v63  }
0x34: {  	_ =	swait.ge [sflag:s3], $0x10000  }
0x35: {  	[sflag:s3] =	ssyncset.done $0x0  }
.LBB2_2:
0x36: {  	[sflag:s3] =	ssyncadd.s32 $0xFFFF0000  }
0x37: {  	_ =	sfence.sel $0x180000  }
0x38: {  	[bflag:$0x0] =	sbarrier.arrive $0xFFFF  }
0x39: {  	p0 =	sne.s32 s0, $0x0;
	_ =	strace $0x90000047  }
0x3a: {  	s0 =	sadd.s32 @!p0 $0x100000, s1;
	[bflag:$0x2] =	sbarrier.arrive $0xFFFF  }
0x3b: {  	[sflag:s0] =	ssyncadd.tile.s32 @!p0 $0x1;
	_ =	shalt  }
.Lfunc_end2:
_tile_overlayer_lowered:
.L_overlay_start_2:
0x3c: {  	(tag) =	ssettag $0x2  }
0x3d: {  	s0 =	rddreg [dreg:$0x0];
	s2 =	stileid.u32  }
0x3e: {  	s1 =	rddreg [dreg:$0x1];
	p0 =	sne.s32 s2, $0x0  }
0x3f: {  	s3 =	rddreg [dreg:$0x2];
	[bflag:$0x3] =	sbarrier.arrive $0xFFFF;
	s2 =	simm.s32 @!p0 $0x1C02  }
0x40: {  	[timem:s3], [sflag:s2] =	dma.local @!p0 [hbm:s0], s1  }
0x41: {  	s0 =	simm.s32 @!p0 $0x2  }
0x42: {  	_ =	swait.ge @!p0 [sflag:s0], s1  }
0x43: {  	s1 =	ssub.s32 @!p0 $0x0, s1;
	[sflag:s0] =	ssyncset.done @!p0 $0x0  }
0x44: {  	[sflag:s0] =	ssyncadd.s32 @!p0 s1  }
0x45: {  	[bflag:$0x3] =	sbarrier.arrive $0xFFFF  }
0x46: {  	_ =	shalt  }

// kernel: kernel.14.cloned.1.call-start
scs
__scs_entry_jumppad:
0x0: {  	(pc) =	sbr.rel $0x88, $3  }
0x1: {  	(tag) =	ssettag $0x0;
	lr =	simm.s32 $0x1  }
0x2: {  	[smem:$0x3F9F] =	sst lr;
	_ =	strace $0xD0000000  }
0x3: {  	_ = 	snop  }
0x4: {  	_ = 	snop  }
0x5: {  	_ = 	snop  }
0x6: {  	_ = 	snop  }
0x7: {  	_ = 	snop  }
__scs_overlays_trampoline_lowered:
0x8: {  	[smem:$0x3FAE] =	sst s0  }
0x9: {  	[smem:$0x3FAF] =	sst s1  }
0xa: {  	[smem:$0x3FB0] =	sst s2  }
0xb: {  	[smem:$0x3FB1] =	sst s3  }
0xc: {  	[smem:$0x3FB2] =	sst s4  }
0xd: {  	[smem:$0x3FB3] =	sst s5  }
0xe: {  	[smem:$0x3FB4] =	sst s6  }
0xf: {  	[smem:$0x3FB5] =	sst s7  }
0x10: {  	[smem:$0x3FB6] =	sst s8  }
0x11: {  	[smem:$0x3FB7] =	sst s9;
	s0 =	simm.s32 @!p0 $0x0  }
0x12: {  	s1 =	sld [smem:$0x3F9D];
	s0 =	simm.s32 @p0 $0x1  }
0x13: {  	[smem:$0x3FB8] =	sst s0;
	s0 =	simm.s32 @!p1 $0x0  }
0x14: {  	s2 =	sld [smem:$0x3F9C];
	s0 =	simm.s32 @p1 $0x1  }
0x15: {  	[smem:$0x3FB9] =	sst s0;
	s0 =	simm.s32 @!p2 $0x0  }
0x16: {  	s3 =	sld [smem:$0x3FDB];
	s0 =	simm.s32 @p2 $0x1  }
0x17: {  	s4 =	simm.s32 $0x1BF5;
	[smem:$0x3FBB] =	sst s0  }
0x18: {  	s0 =	sld [smem:$0x3F9E];
	_ =	swait.ge [sflag:s4], $0x0  }
0x19: {  	s7 =	sld [smem:$0x3F9F]  }
0x1a: {  	s8 =	sadd.s32 $0xFFFFE003, lr  }
0x1b: {  	s9 =	sadd.s32 $0xFFFFFEF7, lr;
	s5 =	simm.s32 $0xFFFFFFFF;
	p2 =	slt.u32 s8, $0xFFFFF086  }
0x1c: {  	p1 =	slt.u32 s9, $0xF7A;
	s5 =	simm.s32 @!p2 $0x0  }
0x1d: {  	s5 =	simm.s32 @p1 $0x1;
	p0 =	seq.s32 s7, s2  }
0x1e: {  	s7 =	smul.u32 @!p0 $0xF7A, s2;
	p2 =	seq.s32 @!p0 s5, $0x0  }
0x1f: {  	s9 =	smul.u32 $0xF7A, s1;
	s8 =	simm.s32 @!p0 $0x1BF5;
	p2 =	por !p2, p0  }
0x20: {  	[sflag:s8] =	ssyncset.s32 @!p0 $0xFFFFF086;
	s6 =	sadd.s32 @!p0 s3, s7;
	s7 =	simm.s32 @!p0 $0x108  }
0x21: {  	s3 =	sadd.s32 s3, s9;
	s6 =	sadd.s32 @!p0 $0x88, s6;
	s7 =	simm.s32 @p2 $0x1082  }
0x22: {  	[simem:s7], [sflag:s8] =	dma.local @!p0 [hbm:s6], $0xF7A  }
0x23: {  	s9 =	sor.u32 $0xD0000000, s2;
	s6 =	simm.s32 $0x108;
	_ =	swait.ge @!p0 [sflag:s8], $0x0  }
0x24: {  	s3 =	sadd.s32 $0x88, s3;
	s6 =	simm.s32 @!p1 $0x1082;
	[sflag:s4] =	ssyncset.s32 $0xFFFFF086  }
0x25: {  	[simem:s6], [sflag:s4] =	dma.local [hbm:s3], $0xF7A  }
0x26: {  	[smem:$0x3F9F] =	sst s1;
	(tag) =	ssettag s2;
	_ =	strace s9  }
0x27: {  	s1 =	sld [smem:$0x3FAF]  }
0x28: {  	s2 =	sld [smem:$0x3FB0]  }
0x29: {  	s4 =	sld [smem:$0x3FB2]  }
0x2a: {  	p0 =	seq.s32 s5, $0x0;
	s5 =	sld [smem:$0x3FB3]  }
0x2b: {  	s6 =	sld [smem:$0x3FB4]  }
0x2c: {  	s7 =	sld [smem:$0x3FB5]  }
0x2d: {  	s3 =	simm.s32 $0x108;
	s8 =	sld [smem:$0x3FB6]  }
0x2e: {  	s3 =	simm.s32 @!p0 $0x1082;
	s9 =	sld [smem:$0x3FB7]  }
0x2f: {  	lr =	sadd.s32 s0, s3;
	s0 =	sld [smem:$0x3FAE]  }
0x30: {  	s3 =	sld [smem:$0x3FB1]  }
0x31: {  	[smem:$0x3FBA] =	sst s10  }
0x32: {  	s10 =	sld [smem:$0x3FB8];
	_ =	sdelay $0x3  }
0x33: {  	p0 =	seq.s32 s10, $0x1;
	s10 =	sld [smem:$0x3FBA];
	_ =	sdelay $0x3  }
0x34: {  	[smem:$0x3FBA] =	sst s10  }
0x35: {  	s10 =	sld [smem:$0x3FB9];
	_ =	sdelay $0x3  }
0x36: {  	p1 =	seq.s32 s10, $0x1;
	s10 =	sld [smem:$0x3FBA];
	_ =	sdelay $0x3  }
0x37: {  	[smem:$0x3FBA] =	sst s10  }
0x38: {  	s10 =	sld [smem:$0x3FBB]  }
0x39: {  	_ = 	snop;
	(pc) =	sbr.ind lr, $3  }
0x3a: {  	_ = 	snop  }
0x3b: {  	_ = 	snop  }
0x3c: {  	p2 =	seq.s32 s10, $0x1;
	s10 =	sld [smem:$0x3FBA]  }
0x3d: {  	_ =	shalt  }
0x3e: {  	_ =	shalt  }
0x3f: {  	_ =	shalt  }
0x40: {  	_ =	shalt  }
0x41: {  	_ =	shalt  }
0x42: {  	_ =	shalt  }
0x43: {  	_ =	shalt  }
0x44: {  	_ =	shalt  }
0x45: {  	_ =	shalt  }
0x46: {  	_ =	shalt  }
0x47: {  	_ =	shalt  }
0x48: {  	_ =	shalt  }
0x49: {  	_ =	shalt  }
0x4a: {  	_ =	shalt  }
0x4b: {  	_ =	shalt  }
0x4c: {  	_ =	shalt  }
0x4d: {  	_ =	shalt  }
0x4e: {  	_ =	shalt  }
0x4f: {  	_ =	shalt  }
0x50: {  	_ =	shalt  }
0x51: {  	_ =	shalt  }
0x52: {  	_ =	shalt  }
0x53: {  	_ =	shalt  }
0x54: {  	_ =	shalt  }
0x55: {  	_ =	shalt  }
0x56: {  	_ =	shalt  }
0x57: {  	_ =	shalt  }
0x58: {  	_ =	shalt  }
0x59: {  	_ =	shalt  }
0x5a: {  	_ =	shalt  }
0x5b: {  	_ =	shalt  }
0x5c: {  	_ =	shalt  }
0x5d: {  	_ =	shalt  }
0x5e: {  	_ =	shalt  }
0x5f: {  	_ =	shalt  }
0x60: {  	_ =	shalt  }
0x61: {  	_ =	shalt  }
0x62: {  	_ =	shalt  }
0x63: {  	_ =	shalt  }
0x64: {  	_ =	shalt  }
0x65: {  	_ =	shalt  }
0x66: {  	_ =	shalt  }
0x67: {  	_ =	shalt  }
0x68: {  	_ =	shalt  }
0x69: {  	_ =	shalt  }
0x6a: {  	_ =	shalt  }
0x6b: {  	_ =	shalt  }
0x6c: {  	_ =	shalt  }
0x6d: {  	_ =	shalt  }
0x6e: {  	_ =	shalt  }
0x6f: {  	_ =	shalt  }
0x70: {  	_ =	shalt  }
0x71: {  	_ =	shalt  }
0x72: {  	_ =	shalt  }
0x73: {  	_ =	shalt  }
0x74: {  	_ =	shalt  }
0x75: {  	_ =	shalt  }
0x76: {  	_ =	shalt  }
0x77: {  	_ =	shalt  }
0x78: {  	_ =	shalt  }
0x79: {  	_ =	shalt  }
0x7a: {  	_ =	shalt  }
0x7b: {  	_ =	shalt  }
0x7c: {  	_ =	shalt  }
0x7d: {  	_ =	shalt  }
0x7e: {  	_ =	shalt  }
0x7f: {  	_ =	shalt  }
0x80: {  	_ =	shalt  }
0x81: {  	_ =	shalt  }
0x82: {  	_ =	shalt  }
0x83: {  	_ =	shalt  }
0x84: {  	_ =	shalt  }
0x85: {  	_ =	shalt  }
0x86: {  	_ =	shalt  }
0x87: {  	_ =	shalt  }
.Lfunc_end0:
.L_simem_size_0:
called_computation.1_lowered:
.L_overlay_start_0:
0x88: {  	s2 =	sld [smem:$0x3FD9]  }
0x89: {  	s3 =	sld [smem:$0x3FFE];
	_ =	sdelay $0x1  }
0x8a: {  	s1 =	srdreg.scid  }
0x8b: {  	s0 =	sand.u32 $0x1, s1  }
0x8c: {  	s14 =	sshll.u32 s0, $0xA;
	s2 =	sadd.s32 s3, s2  }
0x8d: {  	s2 =	sadd.s32 s2, s14  }
0x8e: {  	[smem:$0x3FC6] =	sst s2  }
0x8f: {  	_ = 	snop  }
0x90: {  	s2 =	sld [smem:$0x3FD0];
	_ =	sdelay $0x2  }
0x91: {  	s15 =	simm.s32 $0xA;
	s4 =	simm.s32 $0x10  }
0x92: {  	[smem:s4], [sflag:s15] =	dma.local [hbm:s2], $0x1  }
0x93: {  	_ =	swait.eq [sflag:s15], $0x1  }
0x94: {  	[sflag:s15] =	ssyncset.done $0x0  }
0x95: {  	[sflag:s15] =	ssyncadd.s32 $0xFFFFFFFF  }
0x96: {  	s16 =	sld [smem:$0x12];
	(tm) =	ssettm $0x1  }
0x97: {  	s17 =	sld [smem:$0x3FFB];
	_ =	sdelay $0x3  }
0x98: {  	_ =	strace s17  }
0x99: {  	s3 =	sld [smem:$0x3FFC];
	_ =	sdelay $0x3  }
0x9a: {  	_ =	strace s3  }
0x9b: {  	s3 =	sld [smem:$0x3FFD];
	_ =	sdelay $0x3  }
0x9c: {  	_ =	strace s3  }
0x9d: {  	_ =	strace $0x8FFFFFFF  }
0x9e: {  	s18 =	sld [smem:$0x3FDB];
	_ =	sdelay $0x1  }
0x9f: {  	s19 =	simm.s32 $_scs_section_size  }
0xa0: {  	s5 =	simm.s32 $_size__tile_overlayer_lowered;
	s6 =	simm.s32 $_tile_overlayer_lowered  }
0xa1: {  	s22 =	simm.s32 $0x1BFF;
	s21 =	sshll.u32 s6, $0x1;
	s3 =	sadd.s32 s19, s18  }
0xa2: {  	s7 =	simm.s32 $0x0;
	s20 =	sshll.u32 s5, $0x1;
	s5 =	sadd.s32 s21, s3  }
0xa3: {  	[timem:s7], [sflag:s22] =	dma.local [hbm:s5], s20  }
0xa4: {  	_ =	swait.ge [sflag:s22], s20  }
0xa5: {  	s4 =	ssub.s32 $0x0, s20;
	[sflag:s22] =	ssyncset.done $0x0  }
0xa6: {  	[sflag:s22] =	ssyncadd.s32 s4;
	_ =	sdelay $0x1  }
0xa7: {  	s23 =	simm.s32 $0x1B8B  }
0xa8: {  	_ =	swait.ge [sflag:s23], $0x1  }
0xa9: {  	[sflag:s23] =	ssyncset.done $0x0  }
0xaa: {  	s25 =	simm.s32 $0x1B8E;
	s24 =	sld [smem:$0x3FFE];
	[sflag:s23] =	ssyncadd.s32 $0xFFFFFFFF  }
0xab: {  	s26 =	simm.s32 $execute0_lowered;
	[smem:$0x3FD2] =	sst s25  }
0xac: {  	s5 =	sshll.u32 s26, $0x1;
	_ =	strace $0x80000049;
	[dreg:$0x1] =	wrdreg $0xFFFFFFFF  }
0xad: {  	s28 =	simm.s32 $_size_execute0_lowered;
	s3 =	sadd.s32 s3, s5;
	[dreg:$0x0] =	wrdreg $0x0  }
0xae: {  	s5 =	sshll.u32 s28, $0x1;
	[dreg:$0x2] =	wrdreg s3  }
0xaf: {  	[dreg:$0x3] =	wrdreg s5  }
0xb0: {  	[dreg:$0x4] =	wrdreg $0xC0  }
0xb1: {  	_ =	task [dreg:s7], $0x5FFFF  }
0xb2: {  	[dreg:$0x1] =	wrdreg $0xFFFFFFFF  }
0xb3: {  	[dreg:$0x0] =	wrdreg $0x60  }
0xb4: {  	[dreg:$0x2] =	wrdreg s16  }
0xb5: {  	[dreg:$0x3] =	wrdreg s24  }
0xb6: {  	[dreg:$0x4] =	wrdreg $0x9  }
0xb7: {  	_ =	task.clear_ibuf [dreg:s7], $0x5FFFF;
	_ =	strace $0x90000049  }
0xb8: {  	s29 =	simm.s32 $0x9;
	_ =	strace $0x8000004B  }
0xb9: {  	_ =	swait.ge [sflag:s29], $0x1  }
0xba: {  	[sflag:s29] =	ssyncadd.s32 $0xFFFFFFFF  }
0xbb: {  	_ =	strace $0x9000004B  }
0xbc: {  	_ =	sfence  }
0xbd: {  	s30 =	sld [smem:$0x0];
	_ =	sdelay $0x2  }
0xbe: {  	s31 =	sshll.u32 s1, $0xD;
	s1 =	sshrl.u32 s1, $0x2  }
0xbf: {  	s3 =	sand.u32 $0x4000, s31;
	s1 =	sadd.s32 s1, s30  }
0xc0: {  	s0 =	sor.u32 s3, s0;
	s1 =	sshll.u32 s1, $0x11  }
0xc1: {  	s0 =	sor.u32 s1, s0  }
0xc2: {  	s0 =	sadd.s32 $0x8F2B, s0  }
0xc3: {  	[sflag:s0] =	ssyncadd.remote.s32 $0x1  }
0xc4: {  	_ =	sfence.sel $0xFFFF  }
0xc5: {  	[dreg:$0x0] =	wrdreg $0xFFFFFFFF;
	(pc) =	sbr.abs _section_cstart, $3  }
0xc6: {  	[dreg:$0x1] =	wrdreg $0xFFFFFFFF  }
0xc7: {  	_ =	task.clear_ibuf [dreg:s7], $0x2FFFF;
	_ =	strace $0x9FFFFFFF  }
0xc8: {  	(tm) =	ssettm $0x7FFFFFFF  }
0xc9: {  	_ =	shalt  }
tec
execute0_lowered:
.L_overlay_start_1:
0x0: {  	(tag) =	ssettag $0x1  }
0x1: {  	s1 =	srdreg.scid  }
0x2: {  	s2 =	rddreg [dreg:$0x0];
	s0 =	stileid.u32;
	s10 =	sand.u32 $0x1, s1  }
0x3: {  	s8 =	rddreg [dreg:$0x1];
	s4 =	sshll.u32 s0, $0xB;
	s5 =	sshll.u32 s10, $0xA  }
0x4: {  	s3 =	simm.s32 $0x0;
	s1 =	rddreg [dreg:$0x2];
	s9 =	sor.u32 s5, s4  }
0x5: {  	[smem:$0x7FF] =	sst s3;
	s11 =	sadd.s32 $0x3400, s8;
	s4 =	sshrl.u32 s9, $0x3  }
0x6: {  	_ =	strace $0x8000004A;
	s5 =	sadd.s32 s11, s4;
	s4 =	simm.s32 $0x2  }
0x7: {  	[tilespmem:s3], [sflag:$0x2] =	stream.linear.gather [hbm4b:s5+s3], $0x200, $0x38;
	[tilespmem:$0x10200] =	vst v63  }
0x8: {  	_ =	swait.ge [sflag:s4], $0x200  }
0x9: {  	[sflag:s4] =	ssyncset.done $0x0  }
0xa: {  	s6 =	simm.s32 $0x200;
	s7 =	simm.s32 $0x1;
	[sflag:s4] =	ssyncadd.s32 $0xFFFFFE00  }
0xb: {  	[tilespmem:s6], [sflag:$0x1] =	stream.indirect.gather [hbm4b:s2+s6], $0x80, s3, s6, $0xb8;
	[tilespmem:$0x10200] =	vst v63  }
0xc: {  	_ =	swait.ge [sflag:s7], $0x10000  }
0xd: {  	s12 =	sadd.s32 $0x18C400, s8;
	s29 =	sshll.u32 s9, $0x4;
	[sflag:s7] =	ssyncset.done $0x0  }
0xe: {  	s8 =	sadd.s32 s12, s29;
	[sflag:s7] =	ssyncadd.s32 $0xFFFF0000  }
0xf: {  	[hbm4b:s8+s3] =	stream.linear.scatter [tilespmem:s6], [sflag:$0x2], $0x10000, $0x38;
	[tilespmem:$0x10200] =	vst v63  }
0x10: {  	s13 =	sor.u32 $0x200, s9;
	_ =	swait.ge [sflag:s4], $0x10000  }
0x11: {  	s9 =	sshrl.u32 s13, $0x3;
	[sflag:s4] =	ssyncset.done $0x0  }
0x12: {  	s10 =	ssub.s32 $0x2, s10;
	s9 =	sadd.s32 s11, s9;
	[sflag:s4] =	ssyncadd.s32 $0xFFFF0000  }
0x13: {  	[tilespmem:s3], [sflag:$0x2] =	stream.linear.gather [hbm4b:s9+s3], $0x200, $0x38;
	[tilespmem:$0x10200] =	vst v63  }
0x14: {  	s30 =	sshrl.u32 s10, $0x1;
	_ =	swait.ge [sflag:s4], $0x200  }
0x15: {  	s11 =	ssub.s32 s10, s30;
	[sflag:s4] =	ssyncset.done $0x0  }
0x16: {  	s11 =	smax.u32 s11, $0x1;
	[sflag:s4] =	ssyncadd.s32 $0xFFFFFE00  }
0x17: {  	[tilespmem:s6], [sflag:$0x1] =	stream.indirect.gather [hbm4b:s2+s6], $0x80, s3, s6, $0xb8;
	[tilespmem:$0x10200] =	vst v63  }
0x18: {  	p0 =	sne.s32 s11, $0x1;
	_ =	swait.ge [sflag:s7], $0x10000  }
.Ltmp0:
0x19: {  	s31 =	sshll.u32 s13, $0x4;
	[sflag:s7] =	ssyncset.done $0x0;
	(pc) =	sbr.rel @!p0 .LBB2_2-.Ltmp0, $4  }
0x1a: {  	s10 =	sadd.s32 s12, s31;
	[sflag:s7] =	ssyncadd.s32 $0xFFFF0000  }
0x1b: {  	[hbm4b:s10+s3] =	stream.linear.scatter [tilespmem:s6], [sflag:$0x2], $0x10000, $0x38;
	[tilespmem:$0x10200] =	vst v63  }
0x1c: {  	_ =	swait.ge [sflag:s4], $0x10000  }
0x1d: {  	s11 =	sadd.s32 $0xFFFFFFFF, s11;
	[sflag:s4] =	ssyncset.done $0x0  }
.LBB2_1:
0x1e: {  	p0 =	sne.s32 s11, $0x1;
	s11 =	sadd.s32 $0xFFFFFFFF, s11;
	[sflag:s4] =	ssyncadd.s32 $0xFFFF0000  }
0x1f: {  	[tilespmem:s3], [sflag:$0x2] =	stream.linear.gather [hbm4b:s5+s3], $0x200, $0x38;
	[tilespmem:$0x10200] =	vst v63  }
0x20: {  	_ =	swait.ge [sflag:s4], $0x200  }
0x21: {  	[sflag:s4] =	ssyncset.done $0x0  }
0x22: {  	[sflag:s4] =	ssyncadd.s32 $0xFFFFFE00  }
0x23: {  	[tilespmem:s6], [sflag:$0x1] =	stream.indirect.gather [hbm4b:s2+s6], $0x80, s3, s6, $0xb8;
	[tilespmem:$0x10200] =	vst v63  }
0x24: {  	_ =	swait.ge [sflag:s7], $0x10000  }
0x25: {  	[sflag:s7] =	ssyncset.done $0x0  }
0x26: {  	[sflag:s7] =	ssyncadd.s32 $0xFFFF0000  }
0x27: {  	[hbm4b:s8+s3] =	stream.linear.scatter [tilespmem:s6], [sflag:$0x2], $0x10000, $0x38;
	[tilespmem:$0x10200] =	vst v63  }
0x28: {  	_ =	swait.ge [sflag:s4], $0x10000  }
0x29: {  	[sflag:s4] =	ssyncset.done $0x0  }
0x2a: {  	[sflag:s4] =	ssyncadd.s32 $0xFFFF0000  }
0x2b: {  	[tilespmem:s3], [sflag:$0x2] =	stream.linear.gather [hbm4b:s9+s3], $0x200, $0x38;
	[tilespmem:$0x10200] =	vst v63  }
0x2c: {  	_ =	swait.ge [sflag:s4], $0x200  }
0x2d: {  	[sflag:s4] =	ssyncset.done $0x0  }
0x2e: {  	[sflag:s4] =	ssyncadd.s32 $0xFFFFFE00  }
0x2f: {  	[tilespmem:s6], [sflag:$0x1] =	stream.indirect.gather [hbm4b:s2+s6], $0x80, s3, s6, $0xb8;
	[tilespmem:$0x10200] =	vst v63  }
0x30: {  	_ =	swait.ge [sflag:s7], $0x10000  }
.Ltmp1:
0x31: {  	[sflag:s7] =	ssyncset.done $0x0;
	(pc) =	sbr.rel @p0 .LBB2_1-.Ltmp1, $4  }
0x32: {  	[sflag:s7] =	ssyncadd.s32 $0xFFFF0000  }
0x33: {  	[hbm4b:s10+s3] =	stream.linear.scatter [tilespmem:s6], [sflag:$0x2], $0x10000, $0x38;
	[tilespmem:$0x10200] =	vst v63  }
0x34: {  	_ =	swait.ge [sflag:s4], $0x10000  }
0x35: {  	[sflag:s4] =	ssyncset.done $0x0  }
.LBB2_2:
0x36: {  	[sflag:s4] =	ssyncadd.s32 $0xFFFF0000  }
0x37: {  	_ =	sfence.sel $0x180000  }
0x38: {  	[bflag:$0x0] =	sbarrier.arrive $0xFFFF  }
0x39: {  	p0 =	sne.s32 s0, $0x0;
	_ =	strace $0x9000004A  }
0x3a: {  	s0 =	sadd.s32 @!p0 $0x100000, s1;
	[bflag:$0x2] =	sbarrier.arrive $0xFFFF  }
0x3b: {  	[sflag:s0] =	ssyncadd.tile.s32 @!p0 $0x1;
	_ =	shalt  }
.Lfunc_end2:
_tile_overlayer_lowered:
.L_overlay_start_2:
0x3c: {  	(tag) =	ssettag $0x2  }
0x3d: {  	s0 =	rddreg [dreg:$0x0];
	s2 =	stileid.u32  }
0x3e: {  	s1 =	rddreg [dreg:$0x1];
	p0 =	sne.s32 s2, $0x0  }
0x3f: {  	s3 =	rddreg [dreg:$0x2];
	[bflag:$0x3] =	sbarrier.arrive $0xFFFF;
	s2 =	simm.s32 @!p0 $0x1C02  }
0x40: {  	[timem:s3], [sflag:s2] =	dma.local @!p0 [hbm:s0], s1  }
0x41: {  	s0 =	simm.s32 @!p0 $0x2  }
0x42: {  	_ =	swait.ge @!p0 [sflag:s0], s1  }
0x43: {  	s1 =	ssub.s32 @!p0 $0x0, s1;
	[sflag:s0] =	ssyncset.done @!p0 $0x0  }
0x44: {  	[sflag:s0] =	ssyncadd.s32 @!p0 s1  }
0x45: {  	[bflag:$0x3] =	sbarrier.arrive $0xFFFF  }
0x46: {  	_ =	shalt  }

// kernel: kernel.17.cloned.1.call-start
scs
__scs_entry_jumppad:
0x0: {  	(pc) =	sbr.rel $0x88, $3  }
0x1: {  	(tag) =	ssettag $0x0;
	lr =	simm.s32 $0x1  }
0x2: {  	[smem:$0x3F9F] =	sst lr;
	_ =	strace $0xD0000000  }
0x3: {  	_ = 	snop  }
0x4: {  	_ = 	snop  }
0x5: {  	_ = 	snop  }
0x6: {  	_ = 	snop  }
0x7: {  	_ = 	snop  }
__scs_overlays_trampoline_lowered:
0x8: {  	[smem:$0x3FAE] =	sst s0  }
0x9: {  	[smem:$0x3FAF] =	sst s1  }
0xa: {  	[smem:$0x3FB0] =	sst s2  }
0xb: {  	[smem:$0x3FB1] =	sst s3  }
0xc: {  	[smem:$0x3FB2] =	sst s4  }
0xd: {  	[smem:$0x3FB3] =	sst s5  }
0xe: {  	[smem:$0x3FB4] =	sst s6  }
0xf: {  	[smem:$0x3FB5] =	sst s7  }
0x10: {  	[smem:$0x3FB6] =	sst s8  }
0x11: {  	[smem:$0x3FB7] =	sst s9;
	s0 =	simm.s32 @!p0 $0x0  }
0x12: {  	s1 =	sld [smem:$0x3F9D];
	s0 =	simm.s32 @p0 $0x1  }
0x13: {  	[smem:$0x3FB8] =	sst s0;
	s0 =	simm.s32 @!p1 $0x0  }
0x14: {  	s2 =	sld [smem:$0x3F9C];
	s0 =	simm.s32 @p1 $0x1  }
0x15: {  	[smem:$0x3FB9] =	sst s0;
	s0 =	simm.s32 @!p2 $0x0  }
0x16: {  	s3 =	sld [smem:$0x3FDB];
	s0 =	simm.s32 @p2 $0x1  }
0x17: {  	s4 =	simm.s32 $0x1BF5;
	[smem:$0x3FBB] =	sst s0  }
0x18: {  	s0 =	sld [smem:$0x3F9E];
	_ =	swait.ge [sflag:s4], $0x0  }
0x19: {  	s7 =	sld [smem:$0x3F9F]  }
0x1a: {  	s8 =	sadd.s32 $0xFFFFE003, lr  }
0x1b: {  	s9 =	sadd.s32 $0xFFFFFEF7, lr;
	s5 =	simm.s32 $0xFFFFFFFF;
	p2 =	slt.u32 s8, $0xFFFFF086  }
0x1c: {  	p1 =	slt.u32 s9, $0xF7A;
	s5 =	simm.s32 @!p2 $0x0  }
0x1d: {  	s5 =	simm.s32 @p1 $0x1;
	p0 =	seq.s32 s7, s2  }
0x1e: {  	s7 =	smul.u32 @!p0 $0xF7A, s2;
	p2 =	seq.s32 @!p0 s5, $0x0  }
0x1f: {  	s9 =	smul.u32 $0xF7A, s1;
	s8 =	simm.s32 @!p0 $0x1BF5;
	p2 =	por !p2, p0  }
0x20: {  	[sflag:s8] =	ssyncset.s32 @!p0 $0xFFFFF086;
	s6 =	sadd.s32 @!p0 s3, s7;
	s7 =	simm.s32 @!p0 $0x108  }
0x21: {  	s3 =	sadd.s32 s3, s9;
	s6 =	sadd.s32 @!p0 $0x88, s6;
	s7 =	simm.s32 @p2 $0x1082  }
0x22: {  	[simem:s7], [sflag:s8] =	dma.local @!p0 [hbm:s6], $0xF7A  }
0x23: {  	s9 =	sor.u32 $0xD0000000, s2;
	s6 =	simm.s32 $0x108;
	_ =	swait.ge @!p0 [sflag:s8], $0x0  }
0x24: {  	s3 =	sadd.s32 $0x88, s3;
	s6 =	simm.s32 @!p1 $0x1082;
	[sflag:s4] =	ssyncset.s32 $0xFFFFF086  }
0x25: {  	[simem:s6], [sflag:s4] =	dma.local [hbm:s3], $0xF7A  }
0x26: {  	[smem:$0x3F9F] =	sst s1;
	(tag) =	ssettag s2;
	_ =	strace s9  }
0x27: {  	s1 =	sld [smem:$0x3FAF]  }
0x28: {  	s2 =	sld [smem:$0x3FB0]  }
0x29: {  	s4 =	sld [smem:$0x3FB2]  }
0x2a: {  	p0 =	seq.s32 s5, $0x0;
	s5 =	sld [smem:$0x3FB3]  }
0x2b: {  	s6 =	sld [smem:$0x3FB4]  }
0x2c: {  	s7 =	sld [smem:$0x3FB5]  }
0x2d: {  	s3 =	simm.s32 $0x108;
	s8 =	sld [smem:$0x3FB6]  }
0x2e: {  	s3 =	simm.s32 @!p0 $0x1082;
	s9 =	sld [smem:$0x3FB7]  }
0x2f: {  	lr =	sadd.s32 s0, s3;
	s0 =	sld [smem:$0x3FAE]  }
0x30: {  	s3 =	sld [smem:$0x3FB1]  }
0x31: {  	[smem:$0x3FBA] =	sst s10  }
0x32: {  	s10 =	sld [smem:$0x3FB8];
	_ =	sdelay $0x3  }
0x33: {  	p0 =	seq.s32 s10, $0x1;
	s10 =	sld [smem:$0x3FBA];
	_ =	sdelay $0x3  }
0x34: {  	[smem:$0x3FBA] =	sst s10  }
0x35: {  	s10 =	sld [smem:$0x3FB9];
	_ =	sdelay $0x3  }
0x36: {  	p1 =	seq.s32 s10, $0x1;
	s10 =	sld [smem:$0x3FBA];
	_ =	sdelay $0x3  }
0x37: {  	[smem:$0x3FBA] =	sst s10  }
0x38: {  	s10 =	sld [smem:$0x3FBB]  }
0x39: {  	_ = 	snop;
	(pc) =	sbr.ind lr, $3  }
0x3a: {  	_ = 	snop  }
0x3b: {  	_ = 	snop  }
0x3c: {  	p2 =	seq.s32 s10, $0x1;
	s10 =	sld [smem:$0x3FBA]  }
0x3d: {  	_ =	shalt  }
0x3e: {  	_ =	shalt  }
0x3f: {  	_ =	shalt  }
0x40: {  	_ =	shalt  }
0x41: {  	_ =	shalt  }
0x42: {  	_ =	shalt  }
0x43: {  	_ =	shalt  }
0x44: {  	_ =	shalt  }
0x45: {  	_ =	shalt  }
0x46: {  	_ =	shalt  }
0x47: {  	_ =	shalt  }
0x48: {  	_ =	shalt  }
0x49: {  	_ =	shalt  }
0x4a: {  	_ =	shalt  }
0x4b: {  	_ =	shalt  }
0x4c: {  	_ =	shalt  }
0x4d: {  	_ =	shalt  }
0x4e: {  	_ =	shalt  }
0x4f: {  	_ =	shalt  }
0x50: {  	_ =	shalt  }
0x51: {  	_ =	shalt  }
0x52: {  	_ =	shalt  }
0x53: {  	_ =	shalt  }
0x54: {  	_ =	shalt  }
0x55: {  	_ =	shalt  }
0x56: {  	_ =	shalt  }
0x57: {  	_ =	shalt  }
0x58: {  	_ =	shalt  }
0x59: {  	_ =	shalt  }
0x5a: {  	_ =	shalt  }
0x5b: {  	_ =	shalt  }
0x5c: {  	_ =	shalt  }
0x5d: {  	_ =	shalt  }
0x5e: {  	_ =	shalt  }
0x5f: {  	_ =	shalt  }
0x60: {  	_ =	shalt  }
0x61: {  	_ =	shalt  }
0x62: {  	_ =	shalt  }
0x63: {  	_ =	shalt  }
0x64: {  	_ =	shalt  }
0x65: {  	_ =	shalt  }
0x66: {  	_ =	shalt  }
0x67: {  	_ =	shalt  }
0x68: {  	_ =	shalt  }
0x69: {  	_ =	shalt  }
0x6a: {  	_ =	shalt  }
0x6b: {  	_ =	shalt  }
0x6c: {  	_ =	shalt  }
0x6d: {  	_ =	shalt  }
0x6e: {  	_ =	shalt  }
0x6f: {  	_ =	shalt  }
0x70: {  	_ =	shalt  }
0x71: {  	_ =	shalt  }
0x72: {  	_ =	shalt  }
0x73: {  	_ =	shalt  }
0x74: {  	_ =	shalt  }
0x75: {  	_ =	shalt  }
0x76: {  	_ =	shalt  }
0x77: {  	_ =	shalt  }
0x78: {  	_ =	shalt  }
0x79: {  	_ =	shalt  }
0x7a: {  	_ =	shalt  }
0x7b: {  	_ =	shalt  }
0x7c: {  	_ =	shalt  }
0x7d: {  	_ =	shalt  }
0x7e: {  	_ =	shalt  }
0x7f: {  	_ =	shalt  }
0x80: {  	_ =	shalt  }
0x81: {  	_ =	shalt  }
0x82: {  	_ =	shalt  }
0x83: {  	_ =	shalt  }
0x84: {  	_ =	shalt  }
0x85: {  	_ =	shalt  }
0x86: {  	_ =	shalt  }
0x87: {  	_ =	shalt  }
.Lfunc_end0:
.L_simem_size_0:
called_computation.2_lowered:
.L_overlay_start_0:
0x88: {  	s2 =	sld [smem:$0x3FD9]  }
0x89: {  	s3 =	sld [smem:$0x3FFE];
	_ =	sdelay $0x1  }
0x8a: {  	s1 =	srdreg.scid  }
0x8b: {  	s0 =	sand.u32 $0x1, s1  }
0x8c: {  	s14 =	sshll.u32 s0, $0xA;
	s2 =	sadd.s32 s3, s2  }
0x8d: {  	s2 =	sadd.s32 s2, s14  }
0x8e: {  	[smem:$0x3FC6] =	sst s2  }
0x8f: {  	_ = 	snop  }
0x90: {  	s2 =	sld [smem:$0x3FD0];
	_ =	sdelay $0x2  }
0x91: {  	s15 =	simm.s32 $0xA;
	s4 =	simm.s32 $0x10  }
0x92: {  	[smem:s4], [sflag:s15] =	dma.local [hbm:s2], $0x1  }
0x93: {  	_ =	swait.eq [sflag:s15], $0x1  }
0x94: {  	[sflag:s15] =	ssyncset.done $0x0  }
0x95: {  	[sflag:s15] =	ssyncadd.s32 $0xFFFFFFFF  }
0x96: {  	s16 =	sld [smem:$0x12];
	(tm) =	ssettm $0x1  }
0x97: {  	s17 =	sld [smem:$0x3FFB];
	_ =	sdelay $0x3  }
0x98: {  	_ =	strace s17  }
0x99: {  	s3 =	sld [smem:$0x3FFC];
	_ =	sdelay $0x3  }
0x9a: {  	_ =	strace s3  }
0x9b: {  	s3 =	sld [smem:$0x3FFD];
	_ =	sdelay $0x3  }
0x9c: {  	_ =	strace s3  }
0x9d: {  	_ =	strace $0x8FFFFFFF  }
0x9e: {  	s18 =	sld [smem:$0x3FDB];
	_ =	sdelay $0x1  }
0x9f: {  	s19 =	simm.s32 $_scs_section_size  }
0xa0: {  	s5 =	simm.s32 $_size__tile_overlayer_lowered;
	s6 =	simm.s32 $_tile_overlayer_lowered  }
0xa1: {  	s22 =	simm.s32 $0x1BFF;
	s21 =	sshll.u32 s6, $0x1;
	s3 =	sadd.s32 s19, s18  }
0xa2: {  	s7 =	simm.s32 $0x0;
	s20 =	sshll.u32 s5, $0x1;
	s5 =	sadd.s32 s21, s3  }
0xa3: {  	[timem:s7], [sflag:s22] =	dma.local [hbm:s5], s20  }
0xa4: {  	_ =	swait.ge [sflag:s22], s20  }
0xa5: {  	s4 =	ssub.s32 $0x0, s20;
	[sflag:s22] =	ssyncset.done $0x0  }
0xa6: {  	[sflag:s22] =	ssyncadd.s32 s4;
	_ =	sdelay $0x1  }
0xa7: {  	s23 =	simm.s32 $0x1B8B  }
0xa8: {  	_ =	swait.ge [sflag:s23], $0x1  }
0xa9: {  	[sflag:s23] =	ssyncset.done $0x0  }
0xaa: {  	s25 =	simm.s32 $0x1B8E;
	s24 =	sld [smem:$0x3FFE];
	[sflag:s23] =	ssyncadd.s32 $0xFFFFFFFF  }
0xab: {  	s26 =	simm.s32 $execute0_lowered;
	[smem:$0x3FD2] =	sst s25  }
0xac: {  	s5 =	sshll.u32 s26, $0x1;
	_ =	strace $0x8000004C;
	[dreg:$0x1] =	wrdreg $0xFFFFFFFF  }
0xad: {  	s28 =	simm.s32 $_size_execute0_lowered;
	s3 =	sadd.s32 s3, s5;
	[dreg:$0x0] =	wrdreg $0x0  }
0xae: {  	s5 =	sshll.u32 s28, $0x1;
	[dreg:$0x2] =	wrdreg s3  }
0xaf: {  	[dreg:$0x3] =	wrdreg s5  }
0xb0: {  	[dreg:$0x4] =	wrdreg $0xC0  }
0xb1: {  	_ =	task [dreg:s7], $0x5FFFF  }
0xb2: {  	[dreg:$0x1] =	wrdreg $0xFFFFFFFF  }
0xb3: {  	[dreg:$0x0] =	wrdreg $0x60  }
0xb4: {  	[dreg:$0x2] =	wrdreg s24  }
0xb5: {  	[dreg:$0x3] =	wrdreg s16  }
0xb6: {  	[dreg:$0x4] =	wrdreg $0x9  }
0xb7: {  	_ =	task.clear_ibuf [dreg:s7], $0x5FFFF;
	_ =	strace $0x9000004C  }
0xb8: {  	s29 =	simm.s32 $0x9;
	_ =	strace $0x8000004E  }
0xb9: {  	_ =	swait.ge [sflag:s29], $0x1  }
0xba: {  	[sflag:s29] =	ssyncadd.s32 $0xFFFFFFFF  }
0xbb: {  	_ =	strace $0x9000004E  }
0xbc: {  	_ =	sfence  }
0xbd: {  	s30 =	sld [smem:$0x0];
	_ =	sdelay $0x2  }
0xbe: {  	s31 =	sshll.u32 s1, $0xD;
	s1 =	sshrl.u32 s1, $0x2  }
0xbf: {  	s3 =	sand.u32 $0x4000, s31;
	s1 =	sadd.s32 s1, s30  }
0xc0: {  	s0 =	sor.u32 s3, s0;
	s1 =	sshll.u32 s1, $0x11  }
0xc1: {  	s0 =	sor.u32 s1, s0  }
0xc2: {  	s0 =	sadd.s32 $0x8F2B, s0  }
0xc3: {  	[sflag:s0] =	ssyncadd.remote.s32 $0x1  }
0xc4: {  	_ =	sfence.sel $0xFFFF  }
0xc5: {  	[dreg:$0x0] =	wrdreg $0xFFFFFFFF;
	(pc) =	sbr.abs _section_cstart, $3  }
0xc6: {  	[dreg:$0x1] =	wrdreg $0xFFFFFFFF  }
0xc7: {  	_ =	task.clear_ibuf [dreg:s7], $0x2FFFF;
	_ =	strace $0x9FFFFFFF  }
0xc8: {  	(tm) =	ssettm $0x7FFFFFFF  }
0xc9: {  	_ =	shalt  }
tec
execute0_lowered:
.L_overlay_start_1:
0x0: {  	(tag) =	ssettag $0x1  }
0x1: {  	s1 =	srdreg.scid  }
0x2: {  	s8 =	rddreg [dreg:$0x0];
	s0 =	stileid.u32;
	s10 =	sand.u32 $0x1, s1  }
0x3: {  	s9 =	rddreg [dreg:$0x1];
	s3 =	sshll.u32 s0, $0xB;
	s4 =	sshll.u32 s10, $0xA  }
0x4: {  	s2 =	simm.s32 $0x0;
	s1 =	rddreg [dreg:$0x2];
	s11 =	sor.u32 s4, s3  }
0x5: {  	[smem:$0x7FF] =	sst s2;
	s3 =	sshrl.u32 s11, $0x3  }
0x6: {  	_ =	strace $0x8000004D;
	s4 =	sadd.s32 s9, s3;
	s3 =	simm.s32 $0x2  }
0x7: {  	[tilespmem:s2], [sflag:$0x2] =	stream.linear.gather [hbm4b:s4+s2], $0x200, $0x38;
	[tilespmem:$0x10200] =	vst v63  }
0x8: {  	_ =	swait.ge [sflag:s3], $0x200  }
0x9: {  	s6 =	simm.s32 $0x200;
	[sflag:s3] =	ssyncset.done $0x0  }
0xa: {  	s7 =	simm.s32 $0x1;
	s5 =	sadd.s32 $0x7400, s8;
	[sflag:s3] =	ssyncadd.s32 $0xFFFFFE00  }
0xb: {  	[tilespmem:s6], [sflag:$0x1] =	stream.indirect.gather [hbm4b:s5+s6], $0x80, s2, s6, $0xb8;
	[tilespmem:$0x10200] =	vst v63  }
0xc: {  	_ =	swait.ge [sflag:s7], $0x10000  }
0xd: {  	s12 =	sadd.s32 $0x20C400, s8;
	s28 =	sshll.u32 s11, $0x4;
	[sflag:s7] =	ssyncset.done $0x0  }
0xe: {  	s8 =	sadd.s32 s12, s28;
	[sflag:s7] =	ssyncadd.s32 $0xFFFF0000  }
0xf: {  	[hbm4b:s8+s2] =	stream.linear.scatter [tilespmem:s6], [sflag:$0x2], $0x10000, $0x38;
	[tilespmem:$0x10200] =	vst v63  }
0x10: {  	s11 =	sor.u32 $0x200, s11;
	_ =	swait.ge [sflag:s3], $0x10000  }
0x11: {  	s13 =	sshrl.u32 s11, $0x3;
	[sflag:s3] =	ssyncset.done $0x0  }
0x12: {  	s10 =	ssub.s32 $0x2, s10;
	s9 =	sadd.s32 s9, s13;
	[sflag:s3] =	ssyncadd.s32 $0xFFFF0000  }
0x13: {  	[tilespmem:s2], [sflag:$0x2] =	stream.linear.gather [hbm4b:s9+s2], $0x200, $0x38;
	[tilespmem:$0x10200] =	vst v63  }
0x14: {  	s29 =	sshrl.u32 s10, $0x1;
	_ =	swait.ge [sflag:s3], $0x200  }
0x15: {  	s13 =	ssub.s32 s10, s29;
	[sflag:s3] =	ssyncset.done $0x0  }
0x16: {  	s31 =	smax.u32 s13, $0x1;
	[sflag:s3] =	ssyncadd.s32 $0xFFFFFE00  }
0x17: {  	[tilespmem:s6], [sflag:$0x1] =	stream.indirect.gather [hbm4b:s5+s6], $0x80, s2, s6, $0xb8;
	[tilespmem:$0x10200] =	vst v63  }
0x18: {  	p0 =	sne.s32 s31, $0x1;
	_ =	swait.ge [sflag:s7], $0x10000  }
.Ltmp0:
0x19: {  	s30 =	sshll.u32 s11, $0x4;
	[sflag:s7] =	ssyncset.done $0x0;
	(pc) =	sbr.rel @!p0 .LBB2_2-.Ltmp0, $4  }
0x1a: {  	s10 =	sadd.s32 s12, s30;
	[sflag:s7] =	ssyncadd.s32 $0xFFFF0000  }
0x1b: {  	[hbm4b:s10+s2] =	stream.linear.scatter [tilespmem:s6], [sflag:$0x2], $0x10000, $0x38;
	[tilespmem:$0x10200] =	vst v63  }
0x1c: {  	_ =	swait.ge [sflag:s3], $0x10000  }
0x1d: {  	s11 =	sadd.s32 $0xFFFFFFFF, s31;
	[sflag:s3] =	ssyncset.done $0x0  }
.LBB2_1:
0x1e: {  	p0 =	sne.s32 s11, $0x1;
	s11 =	sadd.s32 $0xFFFFFFFF, s11;
	[sflag:s3] =	ssyncadd.s32 $0xFFFF0000  }
0x1f: {  	[tilespmem:s2], [sflag:$0x2] =	stream.linear.gather [hbm4b:s4+s2], $0x200, $0x38;
	[tilespmem:$0x10200] =	vst v63  }
0x20: {  	_ =	swait.ge [sflag:s3], $0x200  }
0x21: {  	[sflag:s3] =	ssyncset.done $0x0  }
0x22: {  	[sflag:s3] =	ssyncadd.s32 $0xFFFFFE00  }
0x23: {  	[tilespmem:s6], [sflag:$0x1] =	stream.indirect.gather [hbm4b:s5+s6], $0x80, s2, s6, $0xb8;
	[tilespmem:$0x10200] =	vst v63  }
0x24: {  	_ =	swait.ge [sflag:s7], $0x10000  }
0x25: {  	[sflag:s7] =	ssyncset.done $0x0  }
0x26: {  	[sflag:s7] =	ssyncadd.s32 $0xFFFF0000  }
0x27: {  	[hbm4b:s8+s2] =	stream.linear.scatter [tilespmem:s6], [sflag:$0x2], $0x10000, $0x38;
	[tilespmem:$0x10200] =	vst v63  }
0x28: {  	_ =	swait.ge [sflag:s3], $0x10000  }
0x29: {  	[sflag:s3] =	ssyncset.done $0x0  }
0x2a: {  	[sflag:s3] =	ssyncadd.s32 $0xFFFF0000  }
0x2b: {  	[tilespmem:s2], [sflag:$0x2] =	stream.linear.gather [hbm4b:s9+s2], $0x200, $0x38;
	[tilespmem:$0x10200] =	vst v63  }
0x2c: {  	_ =	swait.ge [sflag:s3], $0x200  }
0x2d: {  	[sflag:s3] =	ssyncset.done $0x0  }
0x2e: {  	[sflag:s3] =	ssyncadd.s32 $0xFFFFFE00  }
0x2f: {  	[tilespmem:s6], [sflag:$0x1] =	stream.indirect.gather [hbm4b:s5+s6], $0x80, s2, s6, $0xb8;
	[tilespmem:$0x10200] =	vst v63  }
0x30: {  	_ =	swait.ge [sflag:s7], $0x10000  }
.Ltmp1:
0x31: {  	[sflag:s7] =	ssyncset.done $0x0;
	(pc) =	sbr.rel @p0 .LBB2_1-.Ltmp1, $4  }
0x32: {  	[sflag:s7] =	ssyncadd.s32 $0xFFFF0000  }
0x33: {  	[hbm4b:s10+s2] =	stream.linear.scatter [tilespmem:s6], [sflag:$0x2], $0x10000, $0x38;
	[tilespmem:$0x10200] =	vst v63  }
0x34: {  	_ =	swait.ge [sflag:s3], $0x10000  }
0x35: {  	[sflag:s3] =	ssyncset.done $0x0  }
.LBB2_2:
0x36: {  	[sflag:s3] =	ssyncadd.s32 $0xFFFF0000  }
0x37: {  	_ =	sfence.sel $0x180000  }
0x38: {  	[bflag:$0x0] =	sbarrier.arrive $0xFFFF  }
0x39: {  	p0 =	sne.s32 s0, $0x0;
	_ =	strace $0x9000004D  }
0x3a: {  	s0 =	sadd.s32 @!p0 $0x100000, s1;
	[bflag:$0x2] =	sbarrier.arrive $0xFFFF  }
0x3b: {  	[sflag:s0] =	ssyncadd.tile.s32 @!p0 $0x1;
	_ =	shalt  }
.Lfunc_end2:
_tile_overlayer_lowered:
.L_overlay_start_2:
0x3c: {  	(tag) =	ssettag $0x2  }
0x3d: {  	s0 =	rddreg [dreg:$0x0];
	s2 =	stileid.u32  }
0x3e: {  	s1 =	rddreg [dreg:$0x1];
	p0 =	sne.s32 s2, $0x0  }
0x3f: {  	s3 =	rddreg [dreg:$0x2];
	[bflag:$0x3] =	sbarrier.arrive $0xFFFF;
	s2 =	simm.s32 @!p0 $0x1C02  }
0x40: {  	[timem:s3], [sflag:s2] =	dma.local @!p0 [hbm:s0], s1  }
0x41: {  	s0 =	simm.s32 @!p0 $0x2  }
0x42: {  	_ =	swait.ge @!p0 [sflag:s0], s1  }
0x43: {  	s1 =	ssub.s32 @!p0 $0x0, s1;
	[sflag:s0] =	ssyncset.done @!p0 $0x0  }
0x44: {  	[sflag:s0] =	ssyncadd.s32 @!p0 s1  }
0x45: {  	[bflag:$0x3] =	sbarrier.arrive $0xFFFF  }
0x46: {  	_ =	shalt  }

// kernel: kernel.20.cloned.1.call-start
scs
__scs_entry_jumppad:
0x0: {  	(pc) =	sbr.rel $0x88, $3  }
0x1: {  	(tag) =	ssettag $0x0;
	lr =	simm.s32 $0x1  }
0x2: {  	[smem:$0x3F9F] =	sst lr;
	_ =	strace $0xD0000000  }
0x3: {  	_ = 	snop  }
0x4: {  	_ = 	snop  }
0x5: {  	_ = 	snop  }
0x6: {  	_ = 	snop  }
0x7: {  	_ = 	snop  }
__scs_overlays_trampoline_lowered:
0x8: {  	[smem:$0x3FAE] =	sst s0  }
0x9: {  	[smem:$0x3FAF] =	sst s1  }
0xa: {  	[smem:$0x3FB0] =	sst s2  }
0xb: {  	[smem:$0x3FB1] =	sst s3  }
0xc: {  	[smem:$0x3FB2] =	sst s4  }
0xd: {  	[smem:$0x3FB3] =	sst s5  }
0xe: {  	[smem:$0x3FB4] =	sst s6  }
0xf: {  	[smem:$0x3FB5] =	sst s7  }
0x10: {  	[smem:$0x3FB6] =	sst s8  }
0x11: {  	[smem:$0x3FB7] =	sst s9;
	s0 =	simm.s32 @!p0 $0x0  }
0x12: {  	s1 =	sld [smem:$0x3F9D];
	s0 =	simm.s32 @p0 $0x1  }
0x13: {  	[smem:$0x3FB8] =	sst s0;
	s0 =	simm.s32 @!p1 $0x0  }
0x14: {  	s2 =	sld [smem:$0x3F9C];
	s0 =	simm.s32 @p1 $0x1  }
0x15: {  	[smem:$0x3FB9] =	sst s0;
	s0 =	simm.s32 @!p2 $0x0  }
0x16: {  	s3 =	sld [smem:$0x3FDB];
	s0 =	simm.s32 @p2 $0x1  }
0x17: {  	s4 =	simm.s32 $0x1BF5;
	[smem:$0x3FBB] =	sst s0  }
0x18: {  	s0 =	sld [smem:$0x3F9E];
	_ =	swait.ge [sflag:s4], $0x0  }
0x19: {  	s7 =	sld [smem:$0x3F9F]  }
0x1a: {  	s8 =	sadd.s32 $0xFFFFE003, lr  }
0x1b: {  	s9 =	sadd.s32 $0xFFFFFEF7, lr;
	s5 =	simm.s32 $0xFFFFFFFF;
	p2 =	slt.u32 s8, $0xFFFFF086  }
0x1c: {  	p1 =	slt.u32 s9, $0xF7A;
	s5 =	simm.s32 @!p2 $0x0  }
0x1d: {  	s5 =	simm.s32 @p1 $0x1;
	p0 =	seq.s32 s7, s2  }
0x1e: {  	s7 =	smul.u32 @!p0 $0xF7A, s2;
	p2 =	seq.s32 @!p0 s5, $0x0  }
0x1f: {  	s9 =	smul.u32 $0xF7A, s1;
	s8 =	simm.s32 @!p0 $0x1BF5;
	p2 =	por !p2, p0  }
0x20: {  	[sflag:s8] =	ssyncset.s32 @!p0 $0xFFFFF086;
	s6 =	sadd.s32 @!p0 s3, s7;
	s7 =	simm.s32 @!p0 $0x108  }
0x21: {  	s3 =	sadd.s32 s3, s9;
	s6 =	sadd.s32 @!p0 $0x88, s6;
	s7 =	simm.s32 @p2 $0x1082  }
0x22: {  	[simem:s7], [sflag:s8] =	dma.local @!p0 [hbm:s6], $0xF7A  }
0x23: {  	s9 =	sor.u32 $0xD0000000, s2;
	s6 =	simm.s32 $0x108;
	_ =	swait.ge @!p0 [sflag:s8], $0x0  }
0x24: {  	s3 =	sadd.s32 $0x88, s3;
	s6 =	simm.s32 @!p1 $0x1082;
	[sflag:s4] =	ssyncset.s32 $0xFFFFF086  }
0x25: {  	[simem:s6], [sflag:s4] =	dma.local [hbm:s3], $0xF7A  }
0x26: {  	[smem:$0x3F9F] =	sst s1;
	(tag) =	ssettag s2;
	_ =	strace s9  }
0x27: {  	s1 =	sld [smem:$0x3FAF]  }
0x28: {  	s2 =	sld [smem:$0x3FB0]  }
0x29: {  	s4 =	sld [smem:$0x3FB2]  }
0x2a: {  	p0 =	seq.s32 s5, $0x0;
	s5 =	sld [smem:$0x3FB3]  }
0x2b: {  	s6 =	sld [smem:$0x3FB4]  }
0x2c: {  	s7 =	sld [smem:$0x3FB5]  }
0x2d: {  	s3 =	simm.s32 $0x108;
	s8 =	sld [smem:$0x3FB6]  }
0x2e: {  	s3 =	simm.s32 @!p0 $0x1082;
	s9 =	sld [smem:$0x3FB7]  }
0x2f: {  	lr =	sadd.s32 s0, s3;
	s0 =	sld [smem:$0x3FAE]  }
0x30: {  	s3 =	sld [smem:$0x3FB1]  }
0x31: {  	[smem:$0x3FBA] =	sst s10  }
0x32: {  	s10 =	sld [smem:$0x3FB8];
	_ =	sdelay $0x3  }
0x33: {  	p0 =	seq.s32 s10, $0x1;
	s10 =	sld [smem:$0x3FBA];
	_ =	sdelay $0x3  }
0x34: {  	[smem:$0x3FBA] =	sst s10  }
0x35: {  	s10 =	sld [smem:$0x3FB9];
	_ =	sdelay $0x3  }
0x36: {  	p1 =	seq.s32 s10, $0x1;
	s10 =	sld [smem:$0x3FBA];
	_ =	sdelay $0x3  }
0x37: {  	[smem:$0x3FBA] =	sst s10  }
0x38: {  	s10 =	sld [smem:$0x3FBB]  }
0x39: {  	_ = 	snop;
	(pc) =	sbr.ind lr, $3  }
0x3a: {  	_ = 	snop  }
0x3b: {  	_ = 	snop  }
0x3c: {  	p2 =	seq.s32 s10, $0x1;
	s10 =	sld [smem:$0x3FBA]  }
0x3d: {  	_ =	shalt  }
0x3e: {  	_ =	shalt  }
0x3f: {  	_ =	shalt  }
0x40: {  	_ =	shalt  }
0x41: {  	_ =	shalt  }
0x42: {  	_ =	shalt  }
0x43: {  	_ =	shalt  }
0x44: {  	_ =	shalt  }
0x45: {  	_ =	shalt  }
0x46: {  	_ =	shalt  }
0x47: {  	_ =	shalt  }
0x48: {  	_ =	shalt  }
0x49: {  	_ =	shalt  }
0x4a: {  	_ =	shalt  }
0x4b: {  	_ =	shalt  }
0x4c: {  	_ =	shalt  }
0x4d: {  	_ =	shalt  }
0x4e: {  	_ =	shalt  }
0x4f: {  	_ =	shalt  }
0x50: {  	_ =	shalt  }
0x51: {  	_ =	shalt  }
0x52: {  	_ =	shalt  }
0x53: {  	_ =	shalt  }
0x54: {  	_ =	shalt  }
0x55: {  	_ =	shalt  }
0x56: {  	_ =	shalt  }
0x57: {  	_ =	shalt  }
0x58: {  	_ =	shalt  }
0x59: {  	_ =	shalt  }
0x5a: {  	_ =	shalt  }
0x5b: {  	_ =	shalt  }
0x5c: {  	_ =	shalt  }
0x5d: {  	_ =	shalt  }
0x5e: {  	_ =	shalt  }
0x5f: {  	_ =	shalt  }
0x60: {  	_ =	shalt  }
0x61: {  	_ =	shalt  }
0x62: {  	_ =	shalt  }
0x63: {  	_ =	shalt  }
0x64: {  	_ =	shalt  }
0x65: {  	_ =	shalt  }
0x66: {  	_ =	shalt  }
0x67: {  	_ =	shalt  }
0x68: {  	_ =	shalt  }
0x69: {  	_ =	shalt  }
0x6a: {  	_ =	shalt  }
0x6b: {  	_ =	shalt  }
0x6c: {  	_ =	shalt  }
0x6d: {  	_ =	shalt  }
0x6e: {  	_ =	shalt  }
0x6f: {  	_ =	shalt  }
0x70: {  	_ =	shalt  }
0x71: {  	_ =	shalt  }
0x72: {  	_ =	shalt  }
0x73: {  	_ =	shalt  }
0x74: {  	_ =	shalt  }
0x75: {  	_ =	shalt  }
0x76: {  	_ =	shalt  }
0x77: {  	_ =	shalt  }
0x78: {  	_ =	shalt  }
0x79: {  	_ =	shalt  }
0x7a: {  	_ =	shalt  }
0x7b: {  	_ =	shalt  }
0x7c: {  	_ =	shalt  }
0x7d: {  	_ =	shalt  }
0x7e: {  	_ =	shalt  }
0x7f: {  	_ =	shalt  }
0x80: {  	_ =	shalt  }
0x81: {  	_ =	shalt  }
0x82: {  	_ =	shalt  }
0x83: {  	_ =	shalt  }
0x84: {  	_ =	shalt  }
0x85: {  	_ =	shalt  }
0x86: {  	_ =	shalt  }
0x87: {  	_ =	shalt  }
.Lfunc_end0:
.L_simem_size_0:
called_computation.3_lowered:
.L_overlay_start_0:
0x88: {  	s2 =	sld [smem:$0x3FD9]  }
0x89: {  	s3 =	sld [smem:$0x3FFE];
	_ =	sdelay $0x1  }
0x8a: {  	s1 =	srdreg.scid  }
0x8b: {  	s0 =	sand.u32 $0x1, s1  }
0x8c: {  	s14 =	sshll.u32 s0, $0xA;
	s2 =	sadd.s32 s3, s2  }
0x8d: {  	s2 =	sadd.s32 s2, s14  }
0x8e: {  	[smem:$0x3FC6] =	sst s2  }
0x8f: {  	_ = 	snop  }
0x90: {  	s2 =	sld [smem:$0x3FD0];
	_ =	sdelay $0x2  }
0x91: {  	s15 =	simm.s32 $0xA;
	s4 =	simm.s32 $0x10  }
0x92: {  	[smem:s4], [sflag:s15] =	dma.local [hbm:s2], $0x1  }
0x93: {  	_ =	swait.eq [sflag:s15], $0x1  }
0x94: {  	[sflag:s15] =	ssyncset.done $0x0  }
0x95: {  	[sflag:s15] =	ssyncadd.s32 $0xFFFFFFFF  }
0x96: {  	s16 =	sld [smem:$0x10];
	(tm) =	ssettm $0x1  }
0x97: {  	s17 =	sld [smem:$0x3FFB];
	_ =	sdelay $0x3  }
0x98: {  	_ =	strace s17  }
0x99: {  	s3 =	sld [smem:$0x3FFC];
	_ =	sdelay $0x3  }
0x9a: {  	_ =	strace s3  }
0x9b: {  	s3 =	sld [smem:$0x3FFD];
	_ =	sdelay $0x3  }
0x9c: {  	_ =	strace s3  }
0x9d: {  	_ =	strace $0x8FFFFFFF  }
0x9e: {  	s18 =	sld [smem:$0x3FDB];
	_ =	sdelay $0x1  }
0x9f: {  	s19 =	simm.s32 $_scs_section_size  }
0xa0: {  	s5 =	simm.s32 $_size__tile_overlayer_lowered;
	s6 =	simm.s32 $_tile_overlayer_lowered  }
0xa1: {  	s22 =	simm.s32 $0x1BFF;
	s21 =	sshll.u32 s6, $0x1;
	s3 =	sadd.s32 s19, s18  }
0xa2: {  	s7 =	simm.s32 $0x0;
	s20 =	sshll.u32 s5, $0x1;
	s5 =	sadd.s32 s21, s3  }
0xa3: {  	[timem:s7], [sflag:s22] =	dma.local [hbm:s5], s20  }
0xa4: {  	_ =	swait.ge [sflag:s22], s20  }
0xa5: {  	s4 =	ssub.s32 $0x0, s20;
	[sflag:s22] =	ssyncset.done $0x0  }
0xa6: {  	[sflag:s22] =	ssyncadd.s32 s4;
	_ =	sdelay $0x1  }
0xa7: {  	s23 =	simm.s32 $0x1B8B  }
0xa8: {  	_ =	swait.ge [sflag:s23], $0x1  }
0xa9: {  	[sflag:s23] =	ssyncset.done $0x0  }
0xaa: {  	s25 =	simm.s32 $0x1B8E;
	s24 =	sld [smem:$0x3FFE];
	[sflag:s23] =	ssyncadd.s32 $0xFFFFFFFF  }
0xab: {  	s26 =	simm.s32 $execute0_lowered;
	[smem:$0x3FD2] =	sst s25  }
0xac: {  	s5 =	sshll.u32 s26, $0x1;
	_ =	strace $0x8000004F;
	[dreg:$0x1] =	wrdreg $0xFFFFFFFF  }
0xad: {  	s28 =	simm.s32 $_size_execute0_lowered;
	s3 =	sadd.s32 s3, s5;
	[dreg:$0x0] =	wrdreg $0x0  }
0xae: {  	s5 =	sshll.u32 s28, $0x1;
	[dreg:$0x2] =	wrdreg s3  }
0xaf: {  	[dreg:$0x3] =	wrdreg s5  }
0xb0: {  	[dreg:$0x4] =	wrdreg $0xC0  }
0xb1: {  	_ =	task [dreg:s7], $0x5FFFF  }
0xb2: {  	[dreg:$0x1] =	wrdreg $0xFFFFFFFF  }
0xb3: {  	[dreg:$0x0] =	wrdreg $0x60  }
0xb4: {  	[dreg:$0x2] =	wrdreg s16  }
0xb5: {  	[dreg:$0x3] =	wrdreg s24  }
0xb6: {  	[dreg:$0x4] =	wrdreg $0x9  }
0xb7: {  	_ =	task.clear_ibuf [dreg:s7], $0x5FFFF;
	_ =	strace $0x9000004F  }
0xb8: {  	s29 =	simm.s32 $0x9;
	_ =	strace $0x80000051  }
0xb9: {  	_ =	swait.ge [sflag:s29], $0x1  }
0xba: {  	[sflag:s29] =	ssyncadd.s32 $0xFFFFFFFF  }
0xbb: {  	_ =	strace $0x90000051  }
0xbc: {  	_ =	sfence  }
0xbd: {  	s30 =	sld [smem:$0x0];
	_ =	sdelay $0x2  }
0xbe: {  	s31 =	sshll.u32 s1, $0xD;
	s1 =	sshrl.u32 s1, $0x2  }
0xbf: {  	s3 =	sand.u32 $0x4000, s31;
	s1 =	sadd.s32 s1, s30  }
0xc0: {  	s0 =	sor.u32 s3, s0;
	s1 =	sshll.u32 s1, $0x11  }
0xc1: {  	s0 =	sor.u32 s1, s0  }
0xc2: {  	s0 =	sadd.s32 $0x8F2B, s0  }
0xc3: {  	[sflag:s0] =	ssyncadd.remote.s32 $0x1  }
0xc4: {  	_ =	sfence.sel $0xFFFF  }
0xc5: {  	[dreg:$0x0] =	wrdreg $0xFFFFFFFF;
	(pc) =	sbr.abs _section_cstart, $3  }
0xc6: {  	[dreg:$0x1] =	wrdreg $0xFFFFFFFF  }
0xc7: {  	_ =	task.clear_ibuf [dreg:s7], $0x2FFFF;
	_ =	strace $0x9FFFFFFF  }
0xc8: {  	(tm) =	ssettm $0x7FFFFFFF  }
0xc9: {  	_ =	shalt  }
tec
execute0_lowered:
.L_overlay_start_1:
0x0: {  	(tag) =	ssettag $0x1  }
0x1: {  	s1 =	srdreg.scid  }
0x2: {  	s2 =	rddreg [dreg:$0x0];
	s0 =	stileid.u32;
	s10 =	sand.u32 $0x1, s1  }
0x3: {  	s8 =	rddreg [dreg:$0x1];
	s4 =	sshll.u32 s0, $0xB;
	s5 =	sshll.u32 s10, $0xA  }
0x4: {  	s3 =	simm.s32 $0x0;
	s1 =	rddreg [dreg:$0x2];
	s9 =	sor.u32 s5, s4  }
0x5: {  	[smem:$0x7FF] =	sst s3;
	s11 =	sadd.s32 $0x4400, s8;
	s4 =	sshrl.u32 s9, $0x3  }
0x6: {  	_ =	strace $0x80000050;
	s5 =	sadd.s32 s11, s4;
	s4 =	simm.s32 $0x2  }
0x7: {  	[tilespmem:s3], [sflag:$0x2] =	stream.linear.gather [hbm4b:s5+s3], $0x200, $0x38;
	[tilespmem:$0x10200] =	vst v63  }
0x8: {  	_ =	swait.ge [sflag:s4], $0x200  }
0x9: {  	[sflag:s4] =	ssyncset.done $0x0  }
0xa: {  	s6 =	simm.s32 $0x200;
	s7 =	simm.s32 $0x1;
	[sflag:s4] =	ssyncadd.s32 $0xFFFFFE00  }
0xb: {  	[tilespmem:s6], [sflag:$0x1] =	stream.indirect.gather [hbm4b:s2+s6], $0x80, s3, s6, $0xb8;
	[tilespmem:$0x10200] =	vst v63  }
0xc: {  	_ =	swait.ge [sflag:s7], $0x10000  }
0xd: {  	s12 =	sadd.s32 $0x10C400, s8;
	s29 =	sshll.u32 s9, $0x4;
	[sflag:s7] =	ssyncset.done $0x0  }
0xe: {  	s8 =	sadd.s32 s12, s29;
	[sflag:s7] =	ssyncadd.s32 $0xFFFF0000  }
0xf: {  	[hbm4b:s8+s3] =	stream.linear.scatter [tilespmem:s6], [sflag:$0x2], $0x10000, $0x38;
	[tilespmem:$0x10200] =	vst v63  }
0x10: {  	s13 =	sor.u32 $0x200, s9;
	_ =	swait.ge [sflag:s4], $0x10000  }
0x11: {  	s9 =	sshrl.u32 s13, $0x3;
	[sflag:s4] =	ssyncset.done $0x0  }
0x12: {  	s10 =	ssub.s32 $0x2, s10;
	s9 =	sadd.s32 s11, s9;
	[sflag:s4] =	ssyncadd.s32 $0xFFFF0000  }
0x13: {  	[tilespmem:s3], [sflag:$0x2] =	stream.linear.gather [hbm4b:s9+s3], $0x200, $0x38;
	[tilespmem:$0x10200] =	vst v63  }
0x14: {  	s30 =	sshrl.u32 s10, $0x1;
	_ =	swait.ge [sflag:s4], $0x200  }
0x15: {  	s11 =	ssub.s32 s10, s30;
	[sflag:s4] =	ssyncset.done $0x0  }
0x16: {  	s11 =	smax.u32 s11, $0x1;
	[sflag:s4] =	ssyncadd.s32 $0xFFFFFE00  }
0x17: {  	[tilespmem:s6], [sflag:$0x1] =	stream.indirect.gather [hbm4b:s2+s6], $0x80, s3, s6, $0xb8;
	[tilespmem:$0x10200] =	vst v63  }
0x18: {  	p0 =	sne.s32 s11, $0x1;
	_ =	swait.ge [sflag:s7], $0x10000  }
.Ltmp0:
0x19: {  	s31 =	sshll.u32 s13, $0x4;
	[sflag:s7] =	ssyncset.done $0x0;
	(pc) =	sbr.rel @!p0 .LBB2_2-.Ltmp0, $4  }
0x1a: {  	s10 =	sadd.s32 s12, s31;
	[sflag:s7] =	ssyncadd.s32 $0xFFFF0000  }
0x1b: {  	[hbm4b:s10+s3] =	stream.linear.scatter [tilespmem:s6], [sflag:$0x2], $0x10000, $0x38;
	[tilespmem:$0x10200] =	vst v63  }
0x1c: {  	_ =	swait.ge [sflag:s4], $0x10000  }
0x1d: {  	s11 =	sadd.s32 $0xFFFFFFFF, s11;
	[sflag:s4] =	ssyncset.done $0x0  }
.LBB2_1:
0x1e: {  	p0 =	sne.s32 s11, $0x1;
	s11 =	sadd.s32 $0xFFFFFFFF, s11;
	[sflag:s4] =	ssyncadd.s32 $0xFFFF0000  }
0x1f: {  	[tilespmem:s3], [sflag:$0x2] =	stream.linear.gather [hbm4b:s5+s3], $0x200, $0x38;
	[tilespmem:$0x10200] =	vst v63  }
0x20: {  	_ =	swait.ge [sflag:s4], $0x200  }
0x21: {  	[sflag:s4] =	ssyncset.done $0x0  }
0x22: {  	[sflag:s4] =	ssyncadd.s32 $0xFFFFFE00  }
0x23: {  	[tilespmem:s6], [sflag:$0x1] =	stream.indirect.gather [hbm4b:s2+s6], $0x80, s3, s6, $0xb8;
	[tilespmem:$0x10200] =	vst v63  }
0x24: {  	_ =	swait.ge [sflag:s7], $0x10000  }
0x25: {  	[sflag:s7] =	ssyncset.done $0x0  }
0x26: {  	[sflag:s7] =	ssyncadd.s32 $0xFFFF0000  }
0x27: {  	[hbm4b:s8+s3] =	stream.linear.scatter [tilespmem:s6], [sflag:$0x2], $0x10000, $0x38;
	[tilespmem:$0x10200] =	vst v63  }
0x28: {  	_ =	swait.ge [sflag:s4], $0x10000  }
0x29: {  	[sflag:s4] =	ssyncset.done $0x0  }
0x2a: {  	[sflag:s4] =	ssyncadd.s32 $0xFFFF0000  }
0x2b: {  	[tilespmem:s3], [sflag:$0x2] =	stream.linear.gather [hbm4b:s9+s3], $0x200, $0x38;
	[tilespmem:$0x10200] =	vst v63  }
0x2c: {  	_ =	swait.ge [sflag:s4], $0x200  }
0x2d: {  	[sflag:s4] =	ssyncset.done $0x0  }
0x2e: {  	[sflag:s4] =	ssyncadd.s32 $0xFFFFFE00  }
0x2f: {  	[tilespmem:s6], [sflag:$0x1] =	stream.indirect.gather [hbm4b:s2+s6], $0x80, s3, s6, $0xb8;
	[tilespmem:$0x10200] =	vst v63  }
0x30: {  	_ =	swait.ge [sflag:s7], $0x10000  }
.Ltmp1:
0x31: {  	[sflag:s7] =	ssyncset.done $0x0;
	(pc) =	sbr.rel @p0 .LBB2_1-.Ltmp1, $4  }
0x32: {  	[sflag:s7] =	ssyncadd.s32 $0xFFFF0000  }
0x33: {  	[hbm4b:s10+s3] =	stream.linear.scatter [tilespmem:s6], [sflag:$0x2], $0x10000, $0x38;
	[tilespmem:$0x10200] =	vst v63  }
0x34: {  	_ =	swait.ge [sflag:s4], $0x10000  }
0x35: {  	[sflag:s4] =	ssyncset.done $0x0  }
.LBB2_2:
0x36: {  	[sflag:s4] =	ssyncadd.s32 $0xFFFF0000  }
0x37: {  	_ =	sfence.sel $0x180000  }
0x38: {  	[bflag:$0x0] =	sbarrier.arrive $0xFFFF  }
0x39: {  	p0 =	sne.s32 s0, $0x0;
	_ =	strace $0x90000050  }
0x3a: {  	s0 =	sadd.s32 @!p0 $0x100000, s1;
	[bflag:$0x2] =	sbarrier.arrive $0xFFFF  }
0x3b: {  	[sflag:s0] =	ssyncadd.tile.s32 @!p0 $0x1;
	_ =	shalt  }
.Lfunc_end2:
_tile_overlayer_lowered:
.L_overlay_start_2:
0x3c: {  	(tag) =	ssettag $0x2  }
0x3d: {  	s0 =	rddreg [dreg:$0x0];
	s2 =	stileid.u32  }
0x3e: {  	s1 =	rddreg [dreg:$0x1];
	p0 =	sne.s32 s2, $0x0  }
0x3f: {  	s3 =	rddreg [dreg:$0x2];
	[bflag:$0x3] =	sbarrier.arrive $0xFFFF;
	s2 =	simm.s32 @!p0 $0x1C02  }
0x40: {  	[timem:s3], [sflag:s2] =	dma.local @!p0 [hbm:s0], s1  }
0x41: {  	s0 =	simm.s32 @!p0 $0x2  }
0x42: {  	_ =	swait.ge @!p0 [sflag:s0], s1  }
0x43: {  	s1 =	ssub.s32 @!p0 $0x0, s1;
	[sflag:s0] =	ssyncset.done @!p0 $0x0  }
0x44: {  	[sflag:s0] =	ssyncadd.s32 @!p0 s1  }
0x45: {  	[bflag:$0x3] =	sbarrier.arrive $0xFFFF  }
0x46: {  	_ =	shalt  }

</sc_bundles>
